<compile_context>
chip_gen: v7x
topology: tpu7x:2x2x1
jax: 0.10.2.dev20260603
libtpu: 0.0.44.dev20260713+nightly
codegen_flags: <defaults>
</compile_context>

<pallas_src>
import functools

import jax
import jax.numpy as jnp
from jax import lax
from jax.experimental import pallas as pl
from jax.experimental.pallas import tpu as pltpu
from jax.experimental.pallas import tpu_sc as plsc

N = 10000
E = 320000
D = 128
DH = D // 2

NC = 2
NS = 16
CHUNK = 128
SUP = 4

_cpt = -(-E // (NS * CHUNK))
CPT = _cpt + (1 - _cpt % 2)
E_PAD = NS * CPT * CHUNK

RPT = -(-(N + 1) // (NS * 128)) * 128
NPAD = RPT * NS

_MESH = plsc.VectorSubcoreMesh(core_axis_name="c", subcore_axis_name="s")



@functools.partial(
    pl.kernel,
    out_type=jax.ShapeDtypeStruct((NC * NPAD,), jnp.float32),
    mesh=_MESH,
    scratch_types=[
        pltpu.VMEM((CPT, CHUNK), jnp.int32),
        pltpu.VMEM((CHUNK,), jnp.float32),
        pltpu.VMEM_SHARED((NPAD,), jnp.float32),
    ],
)
def _deg_kernel(col_hbm, zeros1_hbm, out_hbm, col_v, ones_v, acc):
    c = lax.axis_index("c")
    s = lax.axis_index("s")
    pltpu.sync_copy(col_hbm.at[s], col_v)
    for i in range(CHUNK // 16):
        ones_v[pl.ds(i * 16, 16)] = jnp.ones((16,), jnp.float32)
    pltpu.sync_copy(zeros1_hbm, acc.at[pl.ds(s * RPT, RPT)])
    plsc.subcore_barrier()

    def body(j, carry):
        pltpu.sync_copy(ones_v, acc.at[col_v.at[j]], add=True)
        return carry

    lax.fori_loop(0, CPT, body, 0)
    plsc.subcore_barrier()
    pltpu.sync_copy(acc.at[pl.ds(s * RPT, RPT)],
                    out_hbm.at[pl.ds(c * NPAD + s * RPT, RPT)])



@functools.partial(
    pl.kernel,
    out_type=jax.ShapeDtypeStruct((NC, NPAD, DH), jnp.float32),
    mesh=_MESH,
    scratch_types=[
        pltpu.VMEM((CPT, CHUNK), jnp.int32),
        pltpu.VMEM((CPT, CHUNK), jnp.int32),
        pltpu.VMEM((CHUNK, DH), jnp.float32),
        pltpu.VMEM((CHUNK, DH), jnp.float32),
        pltpu.VMEM_SHARED((NPAD, DH), jnp.float32),
        pltpu.SemaphoreType.DMA,
        pltpu.SemaphoreType.DMA,
    ],
    compiler_params=pltpu.CompilerParams(use_tc_tiling_on_sc=False),
)
def _msg_kernel(xw_hbm, row_hbm, col_hbm, zeros2_hbm, out_hbm,
                row_v, col_v, buf0, buf1, acc, sem0, sem1):
    c = lax.axis_index("c")
    s = lax.axis_index("s")
    xw_c = xw_hbm.at[c]
    pltpu.async_copy(row_hbm.at[s], row_v, sem0)
    pltpu.async_copy(col_hbm.at[s], col_v, sem1)
    pltpu.sync_copy(zeros2_hbm, acc.at[pl.ds(s * RPT, RPT)])
    pltpu.make_async_copy(row_hbm.at[s], row_v, sem0).wait()
    pltpu.make_async_copy(col_hbm.at[s], col_v, sem1).wait()
    plsc.subcore_barrier()

    pltpu.async_copy(xw_c.at[row_v.at[0]], buf0, sem0)

    def pair(i, carry):
        j = 2 * i
        pltpu.make_async_copy(xw_c.at[row_v.at[j]], buf0, sem0).wait()
        pltpu.async_copy(xw_c.at[row_v.at[j + 1]], buf1, sem1)
        pltpu.sync_copy(buf0, acc.at[col_v.at[j]], add=True)
        pltpu.make_async_copy(xw_c.at[row_v.at[j + 1]], buf1, sem1).wait()
        pltpu.async_copy(xw_c.at[row_v.at[j + 2]], buf0, sem0)
        pltpu.sync_copy(buf1, acc.at[col_v.at[j + 1]], add=True)
        return carry

    lax.fori_loop(0, (CPT - 1) // 2, pair, 0)
    pltpu.make_async_copy(xw_c.at[row_v.at[CPT - 1]], buf0, sem0).wait()
    pltpu.sync_copy(buf0, acc.at[col_v.at[CPT - 1]], add=True)

    plsc.subcore_barrier()
    pltpu.sync_copy(acc.at[pl.ds(s * RPT, RPT)],
                    out_hbm.at[c, pl.ds(s * RPT, RPT)])



BN = 2000


def _tc1a_body(x_ref, w1_ref, xw_ref):
    xw_ref[...] = jnp.dot(x_ref[...], w1_ref[...],
                          preferred_element_type=jnp.float32)


_tc1a = pl.pallas_call(
    _tc1a_body,
    grid=(N // BN,),
    in_specs=[
        pl.BlockSpec((BN, D), lambda i: (i, 0)),
        pl.BlockSpec((D, D), lambda i: (0, 0)),
    ],
    out_specs=pl.BlockSpec((BN, D), lambda i: (i, 0)),
    out_shape=jax.ShapeDtypeStruct((N, D), jnp.float32),
)


def _tc1b_body(deg_ref, xw_ref, xws_ref, dis_ref):
    dis = lax.rsqrt(deg_ref[...] + 1.0)
    v = dis * xw_ref[...]
    xws_ref[0] = v[:, :DH]
    xws_ref[1] = v[:, DH:]
    dis_ref[...] = dis


_tc1b = pl.pallas_call(
    _tc1b_body,
    grid=(N // BN,),
    in_specs=[
        pl.BlockSpec((BN, 1), lambda i: (i, 0)),
        pl.BlockSpec((BN, D), lambda i: (i, 0)),
    ],
    out_specs=[
        pl.BlockSpec((NC, BN, DH), lambda i: (0, i, 0)),
        pl.BlockSpec((BN, 1), lambda i: (i, 0)),
    ],
    out_shape=[
        jax.ShapeDtypeStruct((NC, N, DH), jnp.float32),
        jax.ShapeDtypeStruct((N, 1), jnp.float32),
    ],
)


def _tc2_body(a0_ref, a1_ref, x0_ref, x1_ref, dis_ref, b_ref, w_ref, out_ref):
    dis = dis_ref[...]
    pre = jnp.concatenate(
        [a0_ref[0] + x0_ref[0], a1_ref[0] + x1_ref[0]], axis=1)
    h = jnp.maximum(dis * pre + b_ref[...], 0.0)
    v = dis * jnp.dot(h, w_ref[...], preferred_element_type=jnp.float32)
    out_ref[0] = v[:, :DH]
    out_ref[1] = v[:, DH:]


_tc2 = pl.pallas_call(
    _tc2_body,
    grid=(N // BN,),
    in_specs=[
        pl.BlockSpec((1, BN, DH), lambda i: (0, i, 0)),
        pl.BlockSpec((1, BN, DH), lambda i: (1, i, 0)),
        pl.BlockSpec((1, BN, DH), lambda i: (0, i, 0)),
        pl.BlockSpec((1, BN, DH), lambda i: (1, i, 0)),
        pl.BlockSpec((BN, 1), lambda i: (i, 0)),
        pl.BlockSpec((1, D), lambda i: (0, 0)),
        pl.BlockSpec((D, D), lambda i: (0, 0)),
    ],
    out_specs=pl.BlockSpec((NC, BN, DH), lambda i: (0, i, 0)),
    out_shape=jax.ShapeDtypeStruct((NC, N, DH), jnp.float32),
)


def _tc3_body(a0_ref, a1_ref, x0_ref, x1_ref, dis_ref, b_ref, out_ref):
    dis = dis_ref[...]
    pre = jnp.concatenate(
        [a0_ref[0] + x0_ref[0], a1_ref[0] + x1_ref[0]], axis=1)
    out_ref[...] = jnp.maximum(dis * pre + b_ref[...], 0.0)


_tc3 = pl.pallas_call(
    _tc3_body,
    grid=(N // BN,),
    in_specs=[
        pl.BlockSpec((1, BN, DH), lambda i: (0, i, 0)),
        pl.BlockSpec((1, BN, DH), lambda i: (1, i, 0)),
        pl.BlockSpec((1, BN, DH), lambda i: (0, i, 0)),
        pl.BlockSpec((1, BN, DH), lambda i: (1, i, 0)),
        pl.BlockSpec((BN, 1), lambda i: (i, 0)),
        pl.BlockSpec((1, D), lambda i: (0, 0)),
    ],
    out_specs=pl.BlockSpec((BN, D), lambda i: (i, 0)),
    out_shape=jax.ShapeDtypeStruct((N, D), jnp.float32),
)



def kernel(x, edge_index, W1, b1, W2, b2):
    row = edge_index[0].astype(jnp.int32)
    col = edge_index[1].astype(jnp.int32)
    pad = E_PAD - E
    row_p = jnp.concatenate([row, jnp.zeros((pad,), jnp.int32)])
    col_p = jnp.concatenate([col, jnp.full((pad,), N, jnp.int32)])
    row_r = row_p.reshape(NS, CPT, CHUNK)
    col_r = col_p.reshape(NS, CPT, CHUNK)
    zeros1 = jnp.zeros((RPT,), jnp.float32)
    zeros2 = jnp.zeros((RPT, DH), jnp.float32)

    deg_parts = _deg_kernel(col_r, zeros1)
    xw1 = _tc1a(x, W1)
    deg1 = deg_parts[:N].reshape(N, 1)
    xw1s, dis = _tc1b(deg1, xw1)

    acc1 = _msg_kernel(xw1s, row_r, col_r, zeros2)
    xw2s = _tc2(acc1, acc1, xw1s, xw1s, dis, b1.reshape(1, D), W2)

    acc2 = _msg_kernel(xw2s, row_r, col_r, zeros2)
    out = _tc3(acc2, acc2, xw2s, xw2s, dis, b2.reshape(1, D))
    return out

# --- scband reference (transcript-rebuilt; emitter-appended) ---
"""Pipeline reference for scband-encoder-661424964219 (READ-ONLY COPY).

The authoritative reference and input builder live on the scoring server;
editing this copy changes nothing except your own understanding.
"""

import jax, jax.numpy as jnp
import numpy as np

N = 10000
E = 320000
D = 128


def setup_inputs(seed: int = 0) -> dict:
    key = jax.random.key(seed)
    k1, k2, k3, k4, k5 = jax.random.split(key, 5)
    x = jax.random.normal(k1, (N, D), dtype=jnp.float32)
    edge_index = jax.random.randint(k2, (2, E), 0, N)
    glorot = 1.0 / np.sqrt(D)
    W1 = jax.random.uniform(k3, (D, D), dtype=jnp.float32, minval=-glorot, maxval=glorot)
    b1 = jnp.zeros((D,), dtype=jnp.float32)
    W2 = jax.random.uniform(k4, (D, D), dtype=jnp.float32, minval=-glorot, maxval=glorot)
    b2 = jnp.zeros((D,), dtype=jnp.float32)
    return {"x": x, "edge_index": edge_index, "W1": W1, "b1": b1, "W2": W2, "b2": b2}


def _gcn_norm(edge_index, n):
    # add self loops, compute symmetric normalization (PyG gcn_norm)
    row, col = edge_index[0], edge_index[1]
    loop = jnp.arange(n, dtype=row.dtype)
    row2 = jnp.concatenate([row, loop])
    col2 = jnp.concatenate([col, loop])
    deg = jax.ops.segment_sum(jnp.ones_like(col2, dtype=jnp.float32), col2, num_segments=n)
    deg_inv_sqrt = jnp.where(deg > 0, deg ** -0.5, 0.0)
    norm = deg_inv_sqrt[row2] * deg_inv_sqrt[col2]
    return row2, col2, norm


def _gcn_conv(x, W, b, row, col, norm, n):
    xw = x @ W
    msg = norm[:, None] * jnp.take(xw, row, axis=0)
    out = jax.ops.segment_sum(msg, col, num_segments=n)
    return out + b


def reference(x, edge_index, W1, b1, W2, b2):
    n = x.shape[0]
    row, col, norm = _gcn_norm(edge_index, n)
    h = jax.nn.relu(_gcn_conv(x, W1, b1, row, col, norm, n))
    # dropout p=0.2 is identity in eval mode
    h = jax.nn.relu(_gcn_conv(h, W2, b2, row, col, norm, n))
    return h

if __name__ == "__main__":
    import jax
    _d = setup_inputs()
    print(jax.jit(kernel)(*tuple(_d.values())))

</pallas_src>

<mosaic_0001>
#map = affine_map<(d0, d1) -> (0, 0, 0)>
#map1 = affine_map<(d0, d1) -> (0)>
module attributes {stable_mosaic.version = 14 : i64} {
  func.func @_deg_kernel(%arg0: i32, %arg1: i32, %arg2: memref<16x157x128xi32, #tpu.memory_space<hbm>>, %arg3: memref<640xf32, #tpu.memory_space<hbm>>, %arg4: memref<20480xf32, #tpu.memory_space<hbm>>, %arg5: memref<157x128xi32, #tpu.memory_space<vmem>>, %arg6: memref<128xf32, #tpu.memory_space<vmem>>, %arg7: memref<10240xf32, #tpu.memory_space<vmem_shared>>) attributes {dimension_semantics = [#tpu.dimension_semantics<core_parallel>, #tpu.dimension_semantics<subcore_parallel>], iteration_bounds = array<i64: 2, 16>, scalar_prefetch = 0 : i64, scratch_operands = 3 : i64, tpu.core_type = #tpu.core_type<sc_vector_subcore>, window_params = [{transform_indices = #map}, {transform_indices = #map1}, {transform_indices = #map1}]} {
    "tpu.region"() ({
      %run_scoped3A = tpu.sem_alloc : memref<!tpu.dma_semaphore, #tpu.memory_space<semaphore_mem>>
      %dma_start3A = arith.constant 0 : i32
      %dma_start3A_59 = arith.constant 0 : i32
      %dma_start3A_60 = tpu.memref_slice %arg2[%arg1, %dma_start3A, %dma_start3A_59] : memref<16x157x128xi32, #tpu.memory_space<hbm>> -> memref<1x157x128xi32, #tpu.memory_space<hbm>>
      %dma_start3A_61 = tpu.memref_squeeze %dma_start3A_60 : memref<1x157x128xi32, #tpu.memory_space<hbm>> -> memref<157x128xi32, #tpu.memory_space<hbm>>
      %dma_start3A_62 = arith.constant 0 : i32
      %dma_start3A_63 = arith.constant 0 : i32
      %dma_start3A_64 = tpu.memref_slice %arg2[%arg1, %dma_start3A_62, %dma_start3A_63] : memref<16x157x128xi32, #tpu.memory_space<hbm>> -> memref<1x157x128xi32, #tpu.memory_space<hbm>>
      %dma_start3A_65 = tpu.memref_squeeze %dma_start3A_64 : memref<1x157x128xi32, #tpu.memory_space<hbm>> -> memref<157x128xi32, #tpu.memory_space<hbm>>
      tpu.enqueue_dma source(%dma_start3A_65 : memref<157x128xi32, #tpu.memory_space<hbm>>) target(%arg5 : memref<157x128xi32, #tpu.memory_space<vmem>>) target_semaphore(%run_scoped3A : memref<!tpu.dma_semaphore, #tpu.memory_space<semaphore_mem>>)
      %dma_wait3A = arith.constant 0 : i32
      %dma_wait3A_66 = arith.constant 0 : i32
      %dma_wait3A_67 = tpu.memref_slice %arg2[%arg1, %dma_wait3A, %dma_wait3A_66] : memref<16x157x128xi32, #tpu.memory_space<hbm>> -> memref<1x157x128xi32, #tpu.memory_space<hbm>>
      %dma_wait3A_68 = tpu.memref_squeeze %dma_wait3A_67 : memref<1x157x128xi32, #tpu.memory_space<hbm>> -> memref<157x128xi32, #tpu.memory_space<hbm>>
      %dma_wait3A_69 = arith.constant 0 : i32
      %dma_wait3A_70 = arith.constant 0 : i32
      %dma_wait3A_71 = tpu.memref_slice %arg2[%arg1, %dma_wait3A_69, %dma_wait3A_70] : memref<16x157x128xi32, #tpu.memory_space<hbm>> -> memref<1x157x128xi32, #tpu.memory_space<hbm>>
      %dma_wait3A_72 = tpu.memref_squeeze %dma_wait3A_71 : memref<1x157x128xi32, #tpu.memory_space<hbm>> -> memref<157x128xi32, #tpu.memory_space<hbm>>
      tpu.wait_dma2 semaphore(%run_scoped3A : memref<!tpu.dma_semaphore, #tpu.memory_space<semaphore_mem>>) src(%dma_wait3A_72 : memref<157x128xi32, #tpu.memory_space<hbm>>) dst(%arg5 : memref<157x128xi32, #tpu.memory_space<vmem>>)
      tpu.yield
    }) : () -> ()
    %broadcast_in_dim3A = arith.constant 1.000000e+00 : f32
    %broadcast_in_dim3A_0 = vector.broadcast %broadcast_in_dim3A : f32 to vector<16xf32>
    %swap3A = arith.constant 0 : index
    %swap3A_1 = tpu.vector_load %arg6[%swap3A] {strides = array<i32>} : memref<128xf32, #tpu.memory_space<vmem>>, vector<16xf32>,
    %swap3A_2 = vector.shape_cast %swap3A_1 : vector<16xf32> to vector<16xf32>
    %swap3A_3 = vector.shape_cast %broadcast_in_dim3A_0 : vector<16xf32> to vector<16xf32>
    tpu.vector_store %arg6[%swap3A], %swap3A_3 {strides = array<i32>} : memref<128xf32, #tpu.memory_space<vmem>>, vector<16xf32>,
    %broadcast_in_dim3A_4 = arith.constant 1.000000e+00 : f32
    %broadcast_in_dim3A_5 = vector.broadcast %broadcast_in_dim3A_4 : f32 to vector<16xf32>
    %swap3A_6 = arith.constant 16 : index
    %swap3A_7 = tpu.vector_load %arg6[%swap3A_6] {strides = array<i32>} : memref<128xf32, #tpu.memory_space<vmem>>, vector<16xf32>,
    %swap3A_8 = vector.shape_cast %swap3A_7 : vector<16xf32> to vector<16xf32>
    %swap3A_9 = vector.shape_cast %broadcast_in_dim3A_5 : vector<16xf32> to vector<16xf32>
    tpu.vector_store %arg6[%swap3A_6], %swap3A_9 {strides = array<i32>} : memref<128xf32, #tpu.memory_space<vmem>>, vector<16xf32>,
    %broadcast_in_dim3A_10 = arith.constant 1.000000e+00 : f32
    %broadcast_in_dim3A_11 = vector.broadcast %broadcast_in_dim3A_10 : f32 to vector<16xf32>
    %swap3A_12 = arith.constant 32 : index
    %swap3A_13 = tpu.vector_load %arg6[%swap3A_12] {strides = array<i32>} : memref<128xf32, #tpu.memory_space<vmem>>, vector<16xf32>,
    %swap3A_14 = vector.shape_cast %swap3A_13 : vector<16xf32> to vector<16xf32>
    %swap3A_15 = vector.shape_cast %broadcast_in_dim3A_11 : vector<16xf32> to vector<16xf32>
    tpu.vector_store %arg6[%swap3A_12], %swap3A_15 {strides = array<i32>} : memref<128xf32, #tpu.memory_space<vmem>>, vector<16xf32>,
    %broadcast_in_dim3A_16 = arith.constant 1.000000e+00 : f32
    %broadcast_in_dim3A_17 = vector.broadcast %broadcast_in_dim3A_16 : f32 to vector<16xf32>
    %swap3A_18 = arith.constant 48 : index
    %swap3A_19 = tpu.vector_load %arg6[%swap3A_18] {strides = array<i32>} : memref<128xf32, #tpu.memory_space<vmem>>, vector<16xf32>,
    %swap3A_20 = vector.shape_cast %swap3A_19 : vector<16xf32> to vector<16xf32>
    %swap3A_21 = vector.shape_cast %broadcast_in_dim3A_17 : vector<16xf32> to vector<16xf32>
    tpu.vector_store %arg6[%swap3A_18], %swap3A_21 {strides = array<i32>} : memref<128xf32, #tpu.memory_space<vmem>>, vector<16xf32>,
    %broadcast_in_dim3A_22 = arith.constant 1.000000e+00 : f32
    %broadcast_in_dim3A_23 = vector.broadcast %broadcast_in_dim3A_22 : f32 to vector<16xf32>
    %swap3A_24 = arith.constant 64 : index
    %swap3A_25 = tpu.vector_load %arg6[%swap3A_24] {strides = array<i32>} : memref<128xf32, #tpu.memory_space<vmem>>, vector<16xf32>,
    %swap3A_26 = vector.shape_cast %swap3A_25 : vector<16xf32> to vector<16xf32>
    %swap3A_27 = vector.shape_cast %broadcast_in_dim3A_23 : vector<16xf32> to vector<16xf32>
    tpu.vector_store %arg6[%swap3A_24], %swap3A_27 {strides = array<i32>} : memref<128xf32, #tpu.memory_space<vmem>>, vector<16xf32>,
    %broadcast_in_dim3A_28 = arith.constant 1.000000e+00 : f32
    %broadcast_in_dim3A_29 = vector.broadcast %broadcast_in_dim3A_28 : f32 to vector<16xf32>
    %swap3A_30 = arith.constant 80 : index
    %swap3A_31 = tpu.vector_load %arg6[%swap3A_30] {strides = array<i32>} : memref<128xf32, #tpu.memory_space<vmem>>, vector<16xf32>,
    %swap3A_32 = vector.shape_cast %swap3A_31 : vector<16xf32> to vector<16xf32>
    %swap3A_33 = vector.shape_cast %broadcast_in_dim3A_29 : vector<16xf32> to vector<16xf32>
    tpu.vector_store %arg6[%swap3A_30], %swap3A_33 {strides = array<i32>} : memref<128xf32, #tpu.memory_space<vmem>>, vector<16xf32>,
    %broadcast_in_dim3A_34 = arith.constant 1.000000e+00 : f32
    %broadcast_in_dim3A_35 = vector.broadcast %broadcast_in_dim3A_34 : f32 to vector<16xf32>
    %swap3A_36 = arith.constant 96 : index
    %swap3A_37 = tpu.vector_load %arg6[%swap3A_36] {strides = array<i32>} : memref<128xf32, #tpu.memory_space<vmem>>, vector<16xf32>,
    %swap3A_38 = vector.shape_cast %swap3A_37 : vector<16xf32> to vector<16xf32>
    %swap3A_39 = vector.shape_cast %broadcast_in_dim3A_35 : vector<16xf32> to vector<16xf32>
    tpu.vector_store %arg6[%swap3A_36], %swap3A_39 {strides = array<i32>} : memref<128xf32, #tpu.memory_space<vmem>>, vector<16xf32>,
    %broadcast_in_dim3A_40 = arith.constant 1.000000e+00 : f32
    %broadcast_in_dim3A_41 = vector.broadcast %broadcast_in_dim3A_40 : f32 to vector<16xf32>
    %swap3A_42 = arith.constant 112 : index
    %swap3A_43 = tpu.vector_load %arg6[%swap3A_42] {strides = array<i32>} : memref<128xf32, #tpu.memory_space<vmem>>, vector<16xf32>,
    %swap3A_44 = vector.shape_cast %swap3A_43 : vector<16xf32> to vector<16xf32>
    %swap3A_45 = vector.shape_cast %broadcast_in_dim3A_41 : vector<16xf32> to vector<16xf32>
    tpu.vector_store %arg6[%swap3A_42], %swap3A_45 {strides = array<i32>} : memref<128xf32, #tpu.memory_space<vmem>>, vector<16xf32>,
    %mul3A = arith.constant 640 : i32
    %mul3A_46 = arith.muli %arg1, %mul3A : i32
    "tpu.region"() ({
      %run_scoped3A = tpu.sem_alloc : memref<!tpu.dma_semaphore, #tpu.memory_space<semaphore_mem>>
      %dma_start3A = tpu.memref_slice %arg7[%mul3A_46] : memref<10240xf32, #tpu.memory_space<vmem_shared>> -> memref<640xf32, #tpu.memory_space<vmem_shared>>
      tpu.enqueue_dma source(%arg3 : memref<640xf32, #tpu.memory_space<hbm>>) target(%dma_start3A : memref<640xf32, #tpu.memory_space<vmem_shared>>) target_semaphore(%run_scoped3A : memref<!tpu.dma_semaphore, #tpu.memory_space<semaphore_mem>>)
      %dma_wait3A = tpu.memref_slice %arg7[%mul3A_46] : memref<10240xf32, #tpu.memory_space<vmem_shared>> -> memref<640xf32, #tpu.memory_space<vmem_shared>>
      tpu.wait_dma2 semaphore(%run_scoped3A : memref<!tpu.dma_semaphore, #tpu.memory_space<semaphore_mem>>) src(%arg3 : memref<640xf32, #tpu.memory_space<hbm>>) dst(%dma_wait3A : memref<640xf32, #tpu.memory_space<vmem_shared>>)
      tpu.yield
    }) : () -> ()
    %barrier3A = arith.constant 0 : index
    tpu.barrier barrier_id(%barrier3A)
    %scan3A = arith.constant 0 : i32
    %scan3A_47 = arith.constant 0 : i32
    %scan3A_48 = arith.constant 157 : i32
    %scan3A_49 = arith.addi %scan3A_47, %scan3A_48 : i32
    %scan3A_50 = arith.constant 1 : i32
    scf.for %scan3A_59 = %scan3A_47 to %scan3A_49 step %scan3A_50  : i32 {
      "tpu.region"() ({
        %run_scoped3A = tpu.sem_alloc : memref<!tpu.dma_semaphore, #tpu.memory_space<semaphore_mem>>
        %dma_start3A = arith.constant 0 : i32
        %dma_start3A_60 = tpu.memref_slice %arg5[%scan3A_59, %dma_start3A] : memref<157x128xi32, #tpu.memory_space<vmem>> -> memref<1x128xi32, #tpu.memory_space<vmem>>
        %dma_start3A_61 = tpu.memref_squeeze %dma_start3A_60 : memref<1x128xi32, #tpu.memory_space<vmem>> -> memref<128xi32, #tpu.memory_space<vmem>>
        %dma_start3A_62 = arith.constant 0 : i32
        %dma_start3A_63 = tpu.memref_slice %arg7[%dma_start3A_62] : memref<10240xf32, #tpu.memory_space<vmem_shared>> -> memref<10240xf32, #tpu.memory_space<vmem_shared>>
        tpu.enqueue_indirect_dma source(%arg6 : memref<128xf32, #tpu.memory_space<vmem>>) target(%dma_start3A_63 : memref<10240xf32, #tpu.memory_space<vmem_shared>>) offsets(%dma_start3A_61 : memref<128xi32, #tpu.memory_space<vmem>>) semaphore(%run_scoped3A : memref<!tpu.dma_semaphore, #tpu.memory_space<semaphore_mem>>) {add = true}
        %dma_wait3A = arith.constant 0 : i32
        %dma_wait3A_64 = tpu.memref_slice %arg5[%scan3A_59, %dma_wait3A] : memref<157x128xi32, #tpu.memory_space<vmem>> -> memref<1x128xi32, #tpu.memory_space<vmem>>
        %dma_wait3A_65 = tpu.memref_squeeze %dma_wait3A_64 : memref<1x128xi32, #tpu.memory_space<vmem>> -> memref<128xi32, #tpu.memory_space<vmem>>
        %dma_wait3A_66 = arith.constant 0 : i32
        %dma_wait3A_67 = tpu.memref_slice %arg7[%dma_wait3A_66] : memref<10240xf32, #tpu.memory_space<vmem_shared>> -> memref<10240xf32, #tpu.memory_space<vmem_shared>>
        tpu.wait_indirect_dma semaphore(%run_scoped3A : memref<!tpu.dma_semaphore, #tpu.memory_space<semaphore_mem>>) src(%arg6 : memref<128xf32, #tpu.memory_space<vmem>>) dst(%dma_wait3A_67 : memref<10240xf32, #tpu.memory_space<vmem_shared>>)
        tpu.yield
      }) : () -> ()
    }
    %scan3A_51 = arith.constant 157 : i32
    %barrier3A_52 = arith.constant 0 : index
    tpu.barrier barrier_id(%barrier3A_52)
    %mul3A_53 = arith.constant 640 : i32
    %mul3A_54 = arith.muli %arg1, %mul3A_53 : i32
    %mul3A_55 = arith.constant 10240 : i32
    %mul3A_56 = arith.muli %arg0, %mul3A_55 : i32
    %mul3A_57 = arith.constant 640 : i32
    %mul3A_58 = arith.muli %arg1, %mul3A_57 : i32
    %add3A = arith.addi %mul3A_56, %mul3A_58 : i32
    "tpu.region"() ({
      %run_scoped3A = tpu.sem_alloc : memref<!tpu.dma_semaphore, #tpu.memory_space<semaphore_mem>>
      %dma_start3A = tpu.memref_slice %arg4[%add3A] : memref<20480xf32, #tpu.memory_space<hbm>> -> memref<640xf32, #tpu.memory_space<hbm>>
      %dma_start3A_59 = tpu.memref_slice %arg7[%mul3A_54] : memref<10240xf32, #tpu.memory_space<vmem_shared>> -> memref<640xf32, #tpu.memory_space<vmem_shared>>
      tpu.enqueue_dma source(%dma_start3A_59 : memref<640xf32, #tpu.memory_space<vmem_shared>>) target(%dma_start3A : memref<640xf32, #tpu.memory_space<hbm>>) target_semaphore(%run_scoped3A : memref<!tpu.dma_semaphore, #tpu.memory_space<semaphore_mem>>)
      %dma_wait3A = tpu.memref_slice %arg4[%add3A] : memref<20480xf32, #tpu.memory_space<hbm>> -> memref<640xf32, #tpu.memory_space<hbm>>
      %dma_wait3A_60 = tpu.memref_slice %arg7[%mul3A_54] : memref<10240xf32, #tpu.memory_space<vmem_shared>> -> memref<640xf32, #tpu.memory_space<vmem_shared>>
      tpu.wait_dma2 semaphore(%run_scoped3A : memref<!tpu.dma_semaphore, #tpu.memory_space<semaphore_mem>>) src(%dma_wait3A_60 : memref<640xf32, #tpu.memory_space<vmem_shared>>) dst(%dma_wait3A : memref<640xf32, #tpu.memory_space<hbm>>)
      tpu.yield
    }) : () -> ()
    return
  }
}

#map = affine_map<(d0, d1) -> (0, 0, 0)>
#map1 = affine_map<(d0, d1) -> (0, 0)>
module attributes {stable_mosaic.version = 14 : i64} {
  func.func @_msg_kernel(%arg0: i32, %arg1: i32, %arg2: memref<2x10000x64xf32, #tpu.memory_space<hbm>>, %arg3: memref<16x157x128xi32, #tpu.memory_space<hbm>>, %arg4: memref<16x157x128xi32, #tpu.memory_space<hbm>>, %arg5: memref<640x64xf32, #tpu.memory_space<hbm>>, %arg6: memref<2x10240x64xf32, #tpu.memory_space<hbm>>, %arg7: memref<157x128xi32, #tpu.memory_space<vmem>>, %arg8: memref<157x128xi32, #tpu.memory_space<vmem>>, %arg9: memref<128x64xf32, #tpu.memory_space<vmem>>, %arg10: memref<128x64xf32, #tpu.memory_space<vmem>>, %arg11: memref<10240x64xf32, #tpu.memory_space<vmem_shared>>, %arg12: memref<!tpu.dma_semaphore, #tpu.memory_space<semaphore_mem>>, %arg13: memref<!tpu.dma_semaphore, #tpu.memory_space<semaphore_mem>>) attributes {dimension_semantics = [#tpu.dimension_semantics<core_parallel>, #tpu.dimension_semantics<subcore_parallel>], iteration_bounds = array<i64: 2, 16>, scalar_prefetch = 0 : i64, scratch_operands = 7 : i64, tpu.core_type = #tpu.core_type<sc_vector_subcore>, window_params = [{transform_indices = #map}, {transform_indices = #map}, {transform_indices = #map}, {transform_indices = #map1}, {transform_indices = #map}]} {
    %dma_start3A = arith.constant 0 : i32
    %dma_start3A_0 = arith.constant 0 : i32
    %dma_start3A_1 = tpu.memref_slice %arg3[%arg1, %dma_start3A, %dma_start3A_0] : memref<16x157x128xi32, #tpu.memory_space<hbm>> -> memref<1x157x128xi32, #tpu.memory_space<hbm>>
    %dma_start3A_2 = tpu.memref_squeeze %dma_start3A_1 : memref<1x157x128xi32, #tpu.memory_space<hbm>> -> memref<157x128xi32, #tpu.memory_space<hbm>>
    %dma_start3A_3 = arith.constant 0 : i32
    %dma_start3A_4 = arith.constant 0 : i32
    %dma_start3A_5 = tpu.memref_slice %arg3[%arg1, %dma_start3A_3, %dma_start3A_4] : memref<16x157x128xi32, #tpu.memory_space<hbm>> -> memref<1x157x128xi32, #tpu.memory_space<hbm>>
    %dma_start3A_6 = tpu.memref_squeeze %dma_start3A_5 : memref<1x157x128xi32, #tpu.memory_space<hbm>> -> memref<157x128xi32, #tpu.memory_space<hbm>>
    tpu.enqueue_dma source(%dma_start3A_6 : memref<157x128xi32, #tpu.memory_space<hbm>>) target(%arg7 : memref<157x128xi32, #tpu.memory_space<vmem>>) target_semaphore(%arg12 : memref<!tpu.dma_semaphore, #tpu.memory_space<semaphore_mem>>)
    %dma_start3A_7 = arith.constant 0 : i32
    %dma_start3A_8 = arith.constant 0 : i32
    %dma_start3A_9 = tpu.memref_slice %arg4[%arg1, %dma_start3A_7, %dma_start3A_8] : memref<16x157x128xi32, #tpu.memory_space<hbm>> -> memref<1x157x128xi32, #tpu.memory_space<hbm>>
    %dma_start3A_10 = tpu.memref_squeeze %dma_start3A_9 : memref<1x157x128xi32, #tpu.memory_space<hbm>> -> memref<157x128xi32, #tpu.memory_space<hbm>>
    %dma_start3A_11 = arith.constant 0 : i32
    %dma_start3A_12 = arith.constant 0 : i32
    %dma_start3A_13 = tpu.memref_slice %arg4[%arg1, %dma_start3A_11, %dma_start3A_12] : memref<16x157x128xi32, #tpu.memory_space<hbm>> -> memref<1x157x128xi32, #tpu.memory_space<hbm>>
    %dma_start3A_14 = tpu.memref_squeeze %dma_start3A_13 : memref<1x157x128xi32, #tpu.memory_space<hbm>> -> memref<157x128xi32, #tpu.memory_space<hbm>>
    tpu.enqueue_dma source(%dma_start3A_14 : memref<157x128xi32, #tpu.memory_space<hbm>>) target(%arg8 : memref<157x128xi32, #tpu.memory_space<vmem>>) target_semaphore(%arg13 : memref<!tpu.dma_semaphore, #tpu.memory_space<semaphore_mem>>)
    %mul3A = arith.constant 640 : i32
    %mul3A_15 = arith.muli %arg1, %mul3A : i32
    "tpu.region"() ({
      %run_scoped3A_63 = tpu.sem_alloc : memref<!tpu.dma_semaphore, #tpu.memory_space<semaphore_mem>>
      %dma_start3A_64 = arith.constant 0 : i32
      %dma_start3A_65 = tpu.memref_slice %arg11[%mul3A_15, %dma_start3A_64] : memref<10240x64xf32, #tpu.memory_space<vmem_shared>> -> memref<640x64xf32, #tpu.memory_space<vmem_shared>>
      tpu.enqueue_dma source(%arg5 : memref<640x64xf32, #tpu.memory_space<hbm>>) target(%dma_start3A_65 : memref<640x64xf32, #tpu.memory_space<vmem_shared>>) target_semaphore(%run_scoped3A_63 : memref<!tpu.dma_semaphore, #tpu.memory_space<semaphore_mem>>)
      %dma_wait3A_66 = arith.constant 0 : i32
      %dma_wait3A_67 = tpu.memref_slice %arg11[%mul3A_15, %dma_wait3A_66] : memref<10240x64xf32, #tpu.memory_space<vmem_shared>> -> memref<640x64xf32, #tpu.memory_space<vmem_shared>>
      tpu.wait_dma2 semaphore(%run_scoped3A_63 : memref<!tpu.dma_semaphore, #tpu.memory_space<semaphore_mem>>) src(%arg5 : memref<640x64xf32, #tpu.memory_space<hbm>>) dst(%dma_wait3A_67 : memref<640x64xf32, #tpu.memory_space<vmem_shared>>)
      tpu.yield
    }) : () -> ()
    %dma_wait3A = arith.constant 0 : i32
    %dma_wait3A_16 = arith.constant 0 : i32
    %dma_wait3A_17 = tpu.memref_slice %arg3[%arg1, %dma_wait3A, %dma_wait3A_16] : memref<16x157x128xi32, #tpu.memory_space<hbm>> -> memref<1x157x128xi32, #tpu.memory_space<hbm>>
    %dma_wait3A_18 = tpu.memref_squeeze %dma_wait3A_17 : memref<1x157x128xi32, #tpu.memory_space<hbm>> -> memref<157x128xi32, #tpu.memory_space<hbm>>
    %dma_wait3A_19 = arith.constant 0 : i32
    %dma_wait3A_20 = arith.constant 0 : i32
    %dma_wait3A_21 = tpu.memref_slice %arg3[%arg1, %dma_wait3A_19, %dma_wait3A_20] : memref<16x157x128xi32, #tpu.memory_space<hbm>> -> memref<1x157x128xi32, #tpu.memory_space<hbm>>
    %dma_wait3A_22 = tpu.memref_squeeze %dma_wait3A_21 : memref<1x157x128xi32, #tpu.memory_space<hbm>> -> memref<157x128xi32, #tpu.memory_space<hbm>>
    tpu.wait_dma2 semaphore(%arg12 : memref<!tpu.dma_semaphore, #tpu.memory_space<semaphore_mem>>) src(%dma_wait3A_22 : memref<157x128xi32, #tpu.memory_space<hbm>>) dst(%arg7 : memref<157x128xi32, #tpu.memory_space<vmem>>)
    %dma_wait3A_23 = arith.constant 0 : i32
    %dma_wait3A_24 = arith.constant 0 : i32
    %dma_wait3A_25 = tpu.memref_slice %arg4[%arg1, %dma_wait3A_23, %dma_wait3A_24] : memref<16x157x128xi32, #tpu.memory_space<hbm>> -> memref<1x157x128xi32, #tpu.memory_space<hbm>>
    %dma_wait3A_26 = tpu.memref_squeeze %dma_wait3A_25 : memref<1x157x128xi32, #tpu.memory_space<hbm>> -> memref<157x128xi32, #tpu.memory_space<hbm>>
    %dma_wait3A_27 = arith.constant 0 : i32
    %dma_wait3A_28 = arith.constant 0 : i32
    %dma_wait3A_29 = tpu.memref_slice %arg4[%arg1, %dma_wait3A_27, %dma_wait3A_28] : memref<16x157x128xi32, #tpu.memory_space<hbm>> -> memref<1x157x128xi32, #tpu.memory_space<hbm>>
    %dma_wait3A_30 = tpu.memref_squeeze %dma_wait3A_29 : memref<1x157x128xi32, #tpu.memory_space<hbm>> -> memref<157x128xi32, #tpu.memory_space<hbm>>
    tpu.wait_dma2 semaphore(%arg13 : memref<!tpu.dma_semaphore, #tpu.memory_space<semaphore_mem>>) src(%dma_wait3A_30 : memref<157x128xi32, #tpu.memory_space<hbm>>) dst(%arg8 : memref<157x128xi32, #tpu.memory_space<vmem>>)
    %barrier3A = arith.constant 0 : index
    tpu.barrier barrier_id(%barrier3A)
    %dma_start3A_31 = arith.constant 0 : i32
    %dma_start3A_32 = arith.constant 0 : i32
    %dma_start3A_33 = tpu.memref_slice %arg7[%dma_start3A_31, %dma_start3A_32] : memref<157x128xi32, #tpu.memory_space<vmem>> -> memref<1x128xi32, #tpu.memory_space<vmem>>
    %dma_start3A_34 = tpu.memref_squeeze %dma_start3A_33 : memref<1x128xi32, #tpu.memory_space<vmem>> -> memref<128xi32, #tpu.memory_space<vmem>>
    %dma_start3A_35 = arith.constant 0 : i32
    %dma_start3A_36 = arith.constant 0 : i32
    %dma_start3A_37 = tpu.memref_slice %arg2[%arg0, %dma_start3A_35, %dma_start3A_36] : memref<2x10000x64xf32, #tpu.memory_space<hbm>> -> memref<1x10000x64xf32, #tpu.memory_space<hbm>>
    %dma_start3A_38 = tpu.memref_squeeze %dma_start3A_37 : memref<1x10000x64xf32, #tpu.memory_space<hbm>> -> memref<10000x64xf32, #tpu.memory_space<hbm>>
    %dma_start3A_39 = arith.constant 0 : i32
    %dma_start3A_40 = arith.constant 0 : i32
    %dma_start3A_41 = tpu.memref_slice %dma_start3A_38[%dma_start3A_39, %dma_start3A_40] : memref<10000x64xf32, #tpu.memory_space<hbm>> -> memref<10000x64xf32, #tpu.memory_space<hbm>>
    tpu.enqueue_indirect_dma source(%dma_start3A_41 : memref<10000x64xf32, #tpu.memory_space<hbm>>) target(%arg9 : memref<128x64xf32, #tpu.memory_space<vmem>>) offsets(%dma_start3A_34 : memref<128xi32, #tpu.memory_space<vmem>>) semaphore(%arg12 : memref<!tpu.dma_semaphore, #tpu.memory_space<semaphore_mem>>)
    %scan3A = arith.constant 0 : i32
    %scan3A_42 = arith.constant 0 : i32
    %scan3A_43 = arith.constant 78 : i32
    %scan3A_44 = arith.addi %scan3A_42, %scan3A_43 : i32
    %scan3A_45 = arith.constant 1 : i32
    scf.for %scan3A_63 = %scan3A_42 to %scan3A_44 step %scan3A_45  : i32 {
      %mul3A_64 = arith.constant 2 : i32
      %mul3A_65 = arith.muli %mul3A_64, %scan3A_63 : i32
      %dma_wait3A_66 = arith.constant 0 : i32
      %dma_wait3A_67 = tpu.memref_slice %arg7[%mul3A_65, %dma_wait3A_66] : memref<157x128xi32, #tpu.memory_space<vmem>> -> memref<1x128xi32, #tpu.memory_space<vmem>>
      %dma_wait3A_68 = tpu.memref_squeeze %dma_wait3A_67 : memref<1x128xi32, #tpu.memory_space<vmem>> -> memref<128xi32, #tpu.memory_space<vmem>>
      %dma_wait3A_69 = arith.constant 0 : i32
      %dma_wait3A_70 = arith.constant 0 : i32
      %dma_wait3A_71 = tpu.memref_slice %arg2[%arg0, %dma_wait3A_69, %dma_wait3A_70] : memref<2x10000x64xf32, #tpu.memory_space<hbm>> -> memref<1x10000x64xf32, #tpu.memory_space<hbm>>
      %dma_wait3A_72 = tpu.memref_squeeze %dma_wait3A_71 : memref<1x10000x64xf32, #tpu.memory_space<hbm>> -> memref<10000x64xf32, #tpu.memory_space<hbm>>
      %dma_wait3A_73 = arith.constant 0 : i32
      %dma_wait3A_74 = arith.constant 0 : i32
      %dma_wait3A_75 = tpu.memref_slice %dma_wait3A_72[%dma_wait3A_73, %dma_wait3A_74] : memref<10000x64xf32, #tpu.memory_space<hbm>> -> memref<10000x64xf32, #tpu.memory_space<hbm>>
      tpu.wait_indirect_dma semaphore(%arg12 : memref<!tpu.dma_semaphore, #tpu.memory_space<semaphore_mem>>) src(%dma_wait3A_75 : memref<10000x64xf32, #tpu.memory_space<hbm>>) dst(%arg9 : memref<128x64xf32, #tpu.memory_space<vmem>>)
      %add3A = arith.constant 1 : i32
      %add3A_76 = arith.addi %mul3A_65, %add3A : i32
      %dma_start3A_77 = arith.constant 0 : i32
      %dma_start3A_78 = tpu.memref_slice %arg7[%add3A_76, %dma_start3A_77] : memref<157x128xi32, #tpu.memory_space<vmem>> -> memref<1x128xi32, #tpu.memory_space<vmem>>
      %dma_start3A_79 = tpu.memref_squeeze %dma_start3A_78 : memref<1x128xi32, #tpu.memory_space<vmem>> -> memref<128xi32, #tpu.memory_space<vmem>>
      %dma_start3A_80 = arith.constant 0 : i32
      %dma_start3A_81 = arith.constant 0 : i32
      %dma_start3A_82 = tpu.memref_slice %arg2[%arg0, %dma_start3A_80, %dma_start3A_81] : memref<2x10000x64xf32, #tpu.memory_space<hbm>> -> memref<1x10000x64xf32, #tpu.memory_space<hbm>>
      %dma_start3A_83 = tpu.memref_squeeze %dma_start3A_82 : memref<1x10000x64xf32, #tpu.memory_space<hbm>> -> memref<10000x64xf32, #tpu.memory_space<hbm>>
      %dma_start3A_84 = arith.constant 0 : i32
      %dma_start3A_85 = arith.constant 0 : i32
      %dma_start3A_86 = tpu.memref_slice %dma_start3A_83[%dma_start3A_84, %dma_start3A_85] : memref<10000x64xf32, #tpu.memory_space<hbm>> -> memref<10000x64xf32, #tpu.memory_space<hbm>>
      tpu.enqueue_indirect_dma source(%dma_start3A_86 : memref<10000x64xf32, #tpu.memory_space<hbm>>) target(%arg10 : memref<128x64xf32, #tpu.memory_space<vmem>>) offsets(%dma_start3A_79 : memref<128xi32, #tpu.memory_space<vmem>>) semaphore(%arg13 : memref<!tpu.dma_semaphore, #tpu.memory_space<semaphore_mem>>)
      "tpu.region"() ({
        %run_scoped3A_113 = tpu.sem_alloc : memref<!tpu.dma_semaphore, #tpu.memory_space<semaphore_mem>>
        %dma_start3A_114 = arith.constant 0 : i32
        %dma_start3A_115 = tpu.memref_slice %arg8[%mul3A_65, %dma_start3A_114] : memref<157x128xi32, #tpu.memory_space<vmem>> -> memref<1x128xi32, #tpu.memory_space<vmem>>
        %dma_start3A_116 = tpu.memref_squeeze %dma_start3A_115 : memref<1x128xi32, #tpu.memory_space<vmem>> -> memref<128xi32, #tpu.memory_space<vmem>>
        %dma_start3A_117 = arith.constant 0 : i32
        %dma_start3A_118 = arith.constant 0 : i32
        %dma_start3A_119 = tpu.memref_slice %arg11[%dma_start3A_117, %dma_start3A_118] : memref<10240x64xf32, #tpu.memory_space<vmem_shared>> -> memref<10240x64xf32, #tpu.memory_space<vmem_shared>>
        tpu.enqueue_indirect_dma source(%arg9 : memref<128x64xf32, #tpu.memory_space<vmem>>) target(%dma_start3A_119 : memref<10240x64xf32, #tpu.memory_space<vmem_shared>>) offsets(%dma_start3A_116 : memref<128xi32, #tpu.memory_space<vmem>>) semaphore(%run_scoped3A_113 : memref<!tpu.dma_semaphore, #tpu.memory_space<semaphore_mem>>) {add = true}
        %dma_wait3A_120 = arith.constant 0 : i32
        %dma_wait3A_121 = tpu.memref_slice %arg8[%mul3A_65, %dma_wait3A_120] : memref<157x128xi32, #tpu.memory_space<vmem>> -> memref<1x128xi32, #tpu.memory_space<vmem>>
        %dma_wait3A_122 = tpu.memref_squeeze %dma_wait3A_121 : memref<1x128xi32, #tpu.memory_space<vmem>> -> memref<128xi32, #tpu.memory_space<vmem>>
        %dma_wait3A_123 = arith.constant 0 : i32
        %dma_wait3A_124 = arith.constant 0 : i32
        %dma_wait3A_125 = tpu.memref_slice %arg11[%dma_wait3A_123, %dma_wait3A_124] : memref<10240x64xf32, #tpu.memory_space<vmem_shared>> -> memref<10240x64xf32, #tpu.memory_space<vmem_shared>>
        tpu.wait_indirect_dma semaphore(%run_scoped3A_113 : memref<!tpu.dma_semaphore, #tpu.memory_space<semaphore_mem>>) src(%arg9 : memref<128x64xf32, #tpu.memory_space<vmem>>) dst(%dma_wait3A_125 : memref<10240x64xf32, #tpu.memory_space<vmem_shared>>)
        tpu.yield
      }) : () -> ()
      %add3A_87 = arith.constant 1 : i32
      %add3A_88 = arith.addi %mul3A_65, %add3A_87 : i32
      %dma_wait3A_89 = arith.constant 0 : i32
      %dma_wait3A_90 = tpu.memref_slice %arg7[%add3A_88, %dma_wait3A_89] : memref<157x128xi32, #tpu.memory_space<vmem>> -> memref<1x128xi32, #tpu.memory_space<vmem>>
      %dma_wait3A_91 = tpu.memref_squeeze %dma_wait3A_90 : memref<1x128xi32, #tpu.memory_space<vmem>> -> memref<128xi32, #tpu.memory_space<vmem>>
      %dma_wait3A_92 = arith.constant 0 : i32
      %dma_wait3A_93 = arith.constant 0 : i32
      %dma_wait3A_94 = tpu.memref_slice %arg2[%arg0, %dma_wait3A_92, %dma_wait3A_93] : memref<2x10000x64xf32, #tpu.memory_space<hbm>> -> memref<1x10000x64xf32, #tpu.memory_space<hbm>>
      %dma_wait3A_95 = tpu.memref_squeeze %dma_wait3A_94 : memref<1x10000x64xf32, #tpu.memory_space<hbm>> -> memref<10000x64xf32, #tpu.memory_space<hbm>>
      %dma_wait3A_96 = arith.constant 0 : i32
      %dma_wait3A_97 = arith.constant 0 : i32
      %dma_wait3A_98 = tpu.memref_slice %dma_wait3A_95[%dma_wait3A_96, %dma_wait3A_97] : memref<10000x64xf32, #tpu.memory_space<hbm>> -> memref<10000x64xf32, #tpu.memory_space<hbm>>
      tpu.wait_indirect_dma semaphore(%arg13 : memref<!tpu.dma_semaphore, #tpu.memory_space<semaphore_mem>>) src(%dma_wait3A_98 : memref<10000x64xf32, #tpu.memory_space<hbm>>) dst(%arg10 : memref<128x64xf32, #tpu.memory_space<vmem>>)
      %add3A_99 = arith.constant 2 : i32
      %add3A_100 = arith.addi %mul3A_65, %add3A_99 : i32
      %dma_start3A_101 = arith.constant 0 : i32
      %dma_start3A_102 = tpu.memref_slice %arg7[%add3A_100, %dma_start3A_101] : memref<157x128xi32, #tpu.memory_space<vmem>> -> memref<1x128xi32, #tpu.memory_space<vmem>>
      %dma_start3A_103 = tpu.memref_squeeze %dma_start3A_102 : memref<1x128xi32, #tpu.memory_space<vmem>> -> memref<128xi32, #tpu.memory_space<vmem>>
      %dma_start3A_104 = arith.constant 0 : i32
      %dma_start3A_105 = arith.constant 0 : i32
      %dma_start3A_106 = tpu.memref_slice %arg2[%arg0, %dma_start3A_104, %dma_start3A_105] : memref<2x10000x64xf32, #tpu.memory_space<hbm>> -> memref<1x10000x64xf32, #tpu.memory_space<hbm>>
      %dma_start3A_107 = tpu.memref_squeeze %dma_start3A_106 : memref<1x10000x64xf32, #tpu.memory_space<hbm>> -> memref<10000x64xf32, #tpu.memory_space<hbm>>
      %dma_start3A_108 = arith.constant 0 : i32
      %dma_start3A_109 = arith.constant 0 : i32
      %dma_start3A_110 = tpu.memref_slice %dma_start3A_107[%dma_start3A_108, %dma_start3A_109] : memref<10000x64xf32, #tpu.memory_space<hbm>> -> memref<10000x64xf32, #tpu.memory_space<hbm>>
      tpu.enqueue_indirect_dma source(%dma_start3A_110 : memref<10000x64xf32, #tpu.memory_space<hbm>>) target(%arg9 : memref<128x64xf32, #tpu.memory_space<vmem>>) offsets(%dma_start3A_103 : memref<128xi32, #tpu.memory_space<vmem>>) semaphore(%arg12 : memref<!tpu.dma_semaphore, #tpu.memory_space<semaphore_mem>>)
      %add3A_111 = arith.constant 1 : i32
      %add3A_112 = arith.addi %mul3A_65, %add3A_111 : i32
      "tpu.region"() ({
        %run_scoped3A_113 = tpu.sem_alloc : memref<!tpu.dma_semaphore, #tpu.memory_space<semaphore_mem>>
        %dma_start3A_114 = arith.constant 0 : i32
        %dma_start3A_115 = tpu.memref_slice %arg8[%add3A_112, %dma_start3A_114] : memref<157x128xi32, #tpu.memory_space<vmem>> -> memref<1x128xi32, #tpu.memory_space<vmem>>
        %dma_start3A_116 = tpu.memref_squeeze %dma_start3A_115 : memref<1x128xi32, #tpu.memory_space<vmem>> -> memref<128xi32, #tpu.memory_space<vmem>>
        %dma_start3A_117 = arith.constant 0 : i32
        %dma_start3A_118 = arith.constant 0 : i32
        %dma_start3A_119 = tpu.memref_slice %arg11[%dma_start3A_117, %dma_start3A_118] : memref<10240x64xf32, #tpu.memory_space<vmem_shared>> -> memref<10240x64xf32, #tpu.memory_space<vmem_shared>>
        tpu.enqueue_indirect_dma source(%arg10 : memref<128x64xf32, #tpu.memory_space<vmem>>) target(%dma_start3A_119 : memref<10240x64xf32, #tpu.memory_space<vmem_shared>>) offsets(%dma_start3A_116 : memref<128xi32, #tpu.memory_space<vmem>>) semaphore(%run_scoped3A_113 : memref<!tpu.dma_semaphore, #tpu.memory_space<semaphore_mem>>) {add = true}
        %dma_wait3A_120 = arith.constant 0 : i32
        %dma_wait3A_121 = tpu.memref_slice %arg8[%add3A_112, %dma_wait3A_120] : memref<157x128xi32, #tpu.memory_space<vmem>> -> memref<1x128xi32, #tpu.memory_space<vmem>>
        %dma_wait3A_122 = tpu.memref_squeeze %dma_wait3A_121 : memref<1x128xi32, #tpu.memory_space<vmem>> -> memref<128xi32, #tpu.memory_space<vmem>>
        %dma_wait3A_123 = arith.constant 0 : i32
        %dma_wait3A_124 = arith.constant 0 : i32
        %dma_wait3A_125 = tpu.memref_slice %arg11[%dma_wait3A_123, %dma_wait3A_124] : memref<10240x64xf32, #tpu.memory_space<vmem_shared>> -> memref<10240x64xf32, #tpu.memory_space<vmem_shared>>
        tpu.wait_indirect_dma semaphore(%run_scoped3A_113 : memref<!tpu.dma_semaphore, #tpu.memory_space<semaphore_mem>>) src(%arg10 : memref<128x64xf32, #tpu.memory_space<vmem>>) dst(%dma_wait3A_125 : memref<10240x64xf32, #tpu.memory_space<vmem_shared>>)
        tpu.yield
      }) : () -> ()
    }
    %scan3A_46 = arith.constant 78 : i32
    %dma_wait3A_47 = arith.constant 156 : i32
    %dma_wait3A_48 = arith.constant 0 : i32
    %dma_wait3A_49 = tpu.memref_slice %arg7[%dma_wait3A_47, %dma_wait3A_48] : memref<157x128xi32, #tpu.memory_space<vmem>> -> memref<1x128xi32, #tpu.memory_space<vmem>>
    %dma_wait3A_50 = tpu.memref_squeeze %dma_wait3A_49 : memref<1x128xi32, #tpu.memory_space<vmem>> -> memref<128xi32, #tpu.memory_space<vmem>>
    %dma_wait3A_51 = arith.constant 0 : i32
    %dma_wait3A_52 = arith.constant 0 : i32
    %dma_wait3A_53 = tpu.memref_slice %arg2[%arg0, %dma_wait3A_51, %dma_wait3A_52] : memref<2x10000x64xf32, #tpu.memory_space<hbm>> -> memref<1x10000x64xf32, #tpu.memory_space<hbm>>
    %dma_wait3A_54 = tpu.memref_squeeze %dma_wait3A_53 : memref<1x10000x64xf32, #tpu.memory_space<hbm>> -> memref<10000x64xf32, #tpu.memory_space<hbm>>
    %dma_wait3A_55 = arith.constant 0 : i32
    %dma_wait3A_56 = arith.constant 0 : i32
    %dma_wait3A_57 = tpu.memref_slice %dma_wait3A_54[%dma_wait3A_55, %dma_wait3A_56] : memref<10000x64xf32, #tpu.memory_space<hbm>> -> memref<10000x64xf32, #tpu.memory_space<hbm>>
    tpu.wait_indirect_dma semaphore(%arg12 : memref<!tpu.dma_semaphore, #tpu.memory_space<semaphore_mem>>) src(%dma_wait3A_57 : memref<10000x64xf32, #tpu.memory_space<hbm>>) dst(%arg9 : memref<128x64xf32, #tpu.memory_space<vmem>>)
    %run_scoped3A = arith.constant 156 : i32
    "tpu.region"() ({
      %run_scoped3A_63 = tpu.sem_alloc : memref<!tpu.dma_semaphore, #tpu.memory_space<semaphore_mem>>
      %dma_start3A_64 = arith.constant 0 : i32
      %dma_start3A_65 = tpu.memref_slice %arg8[%run_scoped3A, %dma_start3A_64] : memref<157x128xi32, #tpu.memory_space<vmem>> -> memref<1x128xi32, #tpu.memory_space<vmem>>
      %dma_start3A_66 = tpu.memref_squeeze %dma_start3A_65 : memref<1x128xi32, #tpu.memory_space<vmem>> -> memref<128xi32, #tpu.memory_space<vmem>>
      %dma_start3A_67 = arith.constant 0 : i32
      %dma_start3A_68 = arith.constant 0 : i32
      %dma_start3A_69 = tpu.memref_slice %arg11[%dma_start3A_67, %dma_start3A_68] : memref<10240x64xf32, #tpu.memory_space<vmem_shared>> -> memref<10240x64xf32, #tpu.memory_space<vmem_shared>>
      tpu.enqueue_indirect_dma source(%arg9 : memref<128x64xf32, #tpu.memory_space<vmem>>) target(%dma_start3A_69 : memref<10240x64xf32, #tpu.memory_space<vmem_shared>>) offsets(%dma_start3A_66 : memref<128xi32, #tpu.memory_space<vmem>>) semaphore(%run_scoped3A_63 : memref<!tpu.dma_semaphore, #tpu.memory_space<semaphore_mem>>) {add = true}
      %dma_wait3A_70 = arith.constant 0 : i32
      %dma_wait3A_71 = tpu.memref_slice %arg8[%run_scoped3A, %dma_wait3A_70] : memref<157x128xi32, #tpu.memory_space<vmem>> -> memref<1x128xi32, #tpu.memory_space<vmem>>
      %dma_wait3A_72 = tpu.memref_squeeze %dma_wait3A_71 : memref<1x128xi32, #tpu.memory_space<vmem>> -> memref<128xi32, #tpu.memory_space<vmem>>
      %dma_wait3A_73 = arith.constant 0 : i32
      %dma_wait3A_74 = arith.constant 0 : i32
      %dma_wait3A_75 = tpu.memref_slice %arg11[%dma_wait3A_73, %dma_wait3A_74] : memref<10240x64xf32, #tpu.memory_space<vmem_shared>> -> memref<10240x64xf32, #tpu.memory_space<vmem_shared>>
      tpu.wait_indirect_dma semaphore(%run_scoped3A_63 : memref<!tpu.dma_semaphore, #tpu.memory_space<semaphore_mem>>) src(%arg9 : memref<128x64xf32, #tpu.memory_space<vmem>>) dst(%dma_wait3A_75 : memref<10240x64xf32, #tpu.memory_space<vmem_shared>>)
      tpu.yield
    }) : () -> ()
    %barrier3A_58 = arith.constant 0 : index
    tpu.barrier barrier_id(%barrier3A_58)
    %mul3A_59 = arith.constant 640 : i32
    %mul3A_60 = arith.muli %arg1, %mul3A_59 : i32
    %mul3A_61 = arith.constant 640 : i32
    %mul3A_62 = arith.muli %arg1, %mul3A_61 : i32
    "tpu.region"() ({
      %run_scoped3A_63 = tpu.sem_alloc : memref<!tpu.dma_semaphore, #tpu.memory_space<semaphore_mem>>
      %dma_start3A_64 = arith.constant 0 : i32
      %dma_start3A_65 = tpu.memref_slice %arg6[%arg0, %mul3A_62, %dma_start3A_64] : memref<2x10240x64xf32, #tpu.memory_space<hbm>> -> memref<1x640x64xf32, #tpu.memory_space<hbm>>
      %dma_start3A_66 = tpu.memref_squeeze %dma_start3A_65 : memref<1x640x64xf32, #tpu.memory_space<hbm>> -> memref<640x64xf32, #tpu.memory_space<hbm>>
      %dma_start3A_67 = arith.constant 0 : i32
      %dma_start3A_68 = tpu.memref_slice %arg11[%mul3A_60, %dma_start3A_67] : memref<10240x64xf32, #tpu.memory_space<vmem_shared>> -> memref<640x64xf32, #tpu.memory_space<vmem_shared>>
      tpu.enqueue_dma source(%dma_start3A_68 : memref<640x64xf32, #tpu.memory_space<vmem_shared>>) target(%dma_start3A_66 : memref<640x64xf32, #tpu.memory_space<hbm>>) target_semaphore(%run_scoped3A_63 : memref<!tpu.dma_semaphore, #tpu.memory_space<semaphore_mem>>)
      %dma_wait3A_69 = arith.constant 0 : i32
      %dma_wait3A_70 = tpu.memref_slice %arg6[%arg0, %mul3A_62, %dma_wait3A_69] : memref<2x10240x64xf32, #tpu.memory_space<hbm>> -> memref<1x640x64xf32, #tpu.memory_space<hbm>>
      %dma_wait3A_71 = tpu.memref_squeeze %dma_wait3A_70 : memref<1x640x64xf32, #tpu.memory_space<hbm>> -> memref<640x64xf32, #tpu.memory_space<hbm>>
      %dma_wait3A_72 = arith.constant 0 : i32
      %dma_wait3A_73 = tpu.memref_slice %arg11[%mul3A_60, %dma_wait3A_72] : memref<10240x64xf32, #tpu.memory_space<vmem_shared>> -> memref<640x64xf32, #tpu.memory_space<vmem_shared>>
      tpu.wait_dma2 semaphore(%run_scoped3A_63 : memref<!tpu.dma_semaphore, #tpu.memory_space<semaphore_mem>>) src(%dma_wait3A_73 : memref<640x64xf32, #tpu.memory_space<vmem_shared>>) dst(%dma_wait3A_71 : memref<640x64xf32, #tpu.memory_space<hbm>>)
      tpu.yield
    }) : () -> ()
    return
  }
}

#map = affine_map<(d0, d1) -> (0, 0, 0)>
#map1 = affine_map<(d0, d1) -> (0, 0)>
module attributes {stable_mosaic.version = 14 : i64} {
  func.func @_msg_kernel(%arg0: i32, %arg1: i32, %arg2: memref<2x10000x64xf32, #tpu.memory_space<hbm>>, %arg3: memref<16x157x128xi32, #tpu.memory_space<hbm>>, %arg4: memref<16x157x128xi32, #tpu.memory_space<hbm>>, %arg5: memref<640x64xf32, #tpu.memory_space<hbm>>, %arg6: memref<2x10240x64xf32, #tpu.memory_space<hbm>>, %arg7: memref<157x128xi32, #tpu.memory_space<vmem>>, %arg8: memref<157x128xi32, #tpu.memory_space<vmem>>, %arg9: memref<128x64xf32, #tpu.memory_space<vmem>>, %arg10: memref<128x64xf32, #tpu.memory_space<vmem>>, %arg11: memref<10240x64xf32, #tpu.memory_space<vmem_shared>>, %arg12: memref<!tpu.dma_semaphore, #tpu.memory_space<semaphore_mem>>, %arg13: memref<!tpu.dma_semaphore, #tpu.memory_space<semaphore_mem>>) attributes {dimension_semantics = [#tpu.dimension_semantics<core_parallel>, #tpu.dimension_semantics<subcore_parallel>], iteration_bounds = array<i64: 2, 16>, scalar_prefetch = 0 : i64, scratch_operands = 7 : i64, tpu.core_type = #tpu.core_type<sc_vector_subcore>, window_params = [{transform_indices = #map}, {transform_indices = #map}, {transform_indices = #map}, {transform_indices = #map1}, {transform_indices = #map}]} {
    %dma_start3A = arith.constant 0 : i32
    %dma_start3A_0 = arith.constant 0 : i32
    %dma_start3A_1 = tpu.memref_slice %arg3[%arg1, %dma_start3A, %dma_start3A_0] : memref<16x157x128xi32, #tpu.memory_space<hbm>> -> memref<1x157x128xi32, #tpu.memory_space<hbm>>
    %dma_start3A_2 = tpu.memref_squeeze %dma_start3A_1 : memref<1x157x128xi32, #tpu.memory_space<hbm>> -> memref<157x128xi32, #tpu.memory_space<hbm>>
    %dma_start3A_3 = arith.constant 0 : i32
    %dma_start3A_4 = arith.constant 0 : i32
    %dma_start3A_5 = tpu.memref_slice %arg3[%arg1, %dma_start3A_3, %dma_start3A_4] : memref<16x157x128xi32, #tpu.memory_space<hbm>> -> memref<1x157x128xi32, #tpu.memory_space<hbm>>
    %dma_start3A_6 = tpu.memref_squeeze %dma_start3A_5 : memref<1x157x128xi32, #tpu.memory_space<hbm>> -> memref<157x128xi32, #tpu.memory_space<hbm>>
    tpu.enqueue_dma source(%dma_start3A_6 : memref<157x128xi32, #tpu.memory_space<hbm>>) target(%arg7 : memref<157x128xi32, #tpu.memory_space<vmem>>) target_semaphore(%arg12 : memref<!tpu.dma_semaphore, #tpu.memory_space<semaphore_mem>>)
    %dma_start3A_7 = arith.constant 0 : i32
    %dma_start3A_8 = arith.constant 0 : i32
    %dma_start3A_9 = tpu.memref_slice %arg4[%arg1, %dma_start3A_7, %dma_start3A_8] : memref<16x157x128xi32, #tpu.memory_space<hbm>> -> memref<1x157x128xi32, #tpu.memory_space<hbm>>
    %dma_start3A_10 = tpu.memref_squeeze %dma_start3A_9 : memref<1x157x128xi32, #tpu.memory_space<hbm>> -> memref<157x128xi32, #tpu.memory_space<hbm>>
    %dma_start3A_11 = arith.constant 0 : i32
    %dma_start3A_12 = arith.constant 0 : i32
    %dma_start3A_13 = tpu.memref_slice %arg4[%arg1, %dma_start3A_11, %dma_start3A_12] : memref<16x157x128xi32, #tpu.memory_space<hbm>> -> memref<1x157x128xi32, #tpu.memory_space<hbm>>
    %dma_start3A_14 = tpu.memref_squeeze %dma_start3A_13 : memref<1x157x128xi32, #tpu.memory_space<hbm>> -> memref<157x128xi32, #tpu.memory_space<hbm>>
    tpu.enqueue_dma source(%dma_start3A_14 : memref<157x128xi32, #tpu.memory_space<hbm>>) target(%arg8 : memref<157x128xi32, #tpu.memory_space<vmem>>) target_semaphore(%arg13 : memref<!tpu.dma_semaphore, #tpu.memory_space<semaphore_mem>>)
    %mul3A = arith.constant 640 : i32
    %mul3A_15 = arith.muli %arg1, %mul3A : i32
    "tpu.region"() ({
      %run_scoped3A_63 = tpu.sem_alloc : memref<!tpu.dma_semaphore, #tpu.memory_space<semaphore_mem>>
      %dma_start3A_64 = arith.constant 0 : i32
      %dma_start3A_65 = tpu.memref_slice %arg11[%mul3A_15, %dma_start3A_64] : memref<10240x64xf32, #tpu.memory_space<vmem_shared>> -> memref<640x64xf32, #tpu.memory_space<vmem_shared>>
      tpu.enqueue_dma source(%arg5 : memref<640x64xf32, #tpu.memory_space<hbm>>) target(%dma_start3A_65 : memref<640x64xf32, #tpu.memory_space<vmem_shared>>) target_semaphore(%run_scoped3A_63 : memref<!tpu.dma_semaphore, #tpu.memory_space<semaphore_mem>>)
      %dma_wait3A_66 = arith.constant 0 : i32
      %dma_wait3A_67 = tpu.memref_slice %arg11[%mul3A_15, %dma_wait3A_66] : memref<10240x64xf32, #tpu.memory_space<vmem_shared>> -> memref<640x64xf32, #tpu.memory_space<vmem_shared>>
      tpu.wait_dma2 semaphore(%run_scoped3A_63 : memref<!tpu.dma_semaphore, #tpu.memory_space<semaphore_mem>>) src(%arg5 : memref<640x64xf32, #tpu.memory_space<hbm>>) dst(%dma_wait3A_67 : memref<640x64xf32, #tpu.memory_space<vmem_shared>>)
      tpu.yield
    }) : () -> ()
    %dma_wait3A = arith.constant 0 : i32
    %dma_wait3A_16 = arith.constant 0 : i32
    %dma_wait3A_17 = tpu.memref_slice %arg3[%arg1, %dma_wait3A, %dma_wait3A_16] : memref<16x157x128xi32, #tpu.memory_space<hbm>> -> memref<1x157x128xi32, #tpu.memory_space<hbm>>
    %dma_wait3A_18 = tpu.memref_squeeze %dma_wait3A_17 : memref<1x157x128xi32, #tpu.memory_space<hbm>> -> memref<157x128xi32, #tpu.memory_space<hbm>>
    %dma_wait3A_19 = arith.constant 0 : i32
    %dma_wait3A_20 = arith.constant 0 : i32
    %dma_wait3A_21 = tpu.memref_slice %arg3[%arg1, %dma_wait3A_19, %dma_wait3A_20] : memref<16x157x128xi32, #tpu.memory_space<hbm>> -> memref<1x157x128xi32, #tpu.memory_space<hbm>>
    %dma_wait3A_22 = tpu.memref_squeeze %dma_wait3A_21 : memref<1x157x128xi32, #tpu.memory_space<hbm>> -> memref<157x128xi32, #tpu.memory_space<hbm>>
    tpu.wait_dma2 semaphore(%arg12 : memref<!tpu.dma_semaphore, #tpu.memory_space<semaphore_mem>>) src(%dma_wait3A_22 : memref<157x128xi32, #tpu.memory_space<hbm>>) dst(%arg7 : memref<157x128xi32, #tpu.memory_space<vmem>>)
    %dma_wait3A_23 = arith.constant 0 : i32
    %dma_wait3A_24 = arith.constant 0 : i32
    %dma_wait3A_25 = tpu.memref_slice %arg4[%arg1, %dma_wait3A_23, %dma_wait3A_24] : memref<16x157x128xi32, #tpu.memory_space<hbm>> -> memref<1x157x128xi32, #tpu.memory_space<hbm>>
    %dma_wait3A_26 = tpu.memref_squeeze %dma_wait3A_25 : memref<1x157x128xi32, #tpu.memory_space<hbm>> -> memref<157x128xi32, #tpu.memory_space<hbm>>
    %dma_wait3A_27 = arith.constant 0 : i32
    %dma_wait3A_28 = arith.constant 0 : i32
    %dma_wait3A_29 = tpu.memref_slice %arg4[%arg1, %dma_wait3A_27, %dma_wait3A_28] : memref<16x157x128xi32, #tpu.memory_space<hbm>> -> memref<1x157x128xi32, #tpu.memory_space<hbm>>
    %dma_wait3A_30 = tpu.memref_squeeze %dma_wait3A_29 : memref<1x157x128xi32, #tpu.memory_space<hbm>> -> memref<157x128xi32, #tpu.memory_space<hbm>>
    tpu.wait_dma2 semaphore(%arg13 : memref<!tpu.dma_semaphore, #tpu.memory_space<semaphore_mem>>) src(%dma_wait3A_30 : memref<157x128xi32, #tpu.memory_space<hbm>>) dst(%arg8 : memref<157x128xi32, #tpu.memory_space<vmem>>)
    %barrier3A = arith.constant 0 : index
    tpu.barrier barrier_id(%barrier3A)
    %dma_start3A_31 = arith.constant 0 : i32
    %dma_start3A_32 = arith.constant 0 : i32
    %dma_start3A_33 = tpu.memref_slice %arg7[%dma_start3A_31, %dma_start3A_32] : memref<157x128xi32, #tpu.memory_space<vmem>> -> memref<1x128xi32, #tpu.memory_space<vmem>>
    %dma_start3A_34 = tpu.memref_squeeze %dma_start3A_33 : memref<1x128xi32, #tpu.memory_space<vmem>> -> memref<128xi32, #tpu.memory_space<vmem>>
    %dma_start3A_35 = arith.constant 0 : i32
    %dma_start3A_36 = arith.constant 0 : i32
    %dma_start3A_37 = tpu.memref_slice %arg2[%arg0, %dma_start3A_35, %dma_start3A_36] : memref<2x10000x64xf32, #tpu.memory_space<hbm>> -> memref<1x10000x64xf32, #tpu.memory_space<hbm>>
    %dma_start3A_38 = tpu.memref_squeeze %dma_start3A_37 : memref<1x10000x64xf32, #tpu.memory_space<hbm>> -> memref<10000x64xf32, #tpu.memory_space<hbm>>
    %dma_start3A_39 = arith.constant 0 : i32
    %dma_start3A_40 = arith.constant 0 : i32
    %dma_start3A_41 = tpu.memref_slice %dma_start3A_38[%dma_start3A_39, %dma_start3A_40] : memref<10000x64xf32, #tpu.memory_space<hbm>> -> memref<10000x64xf32, #tpu.memory_space<hbm>>
    tpu.enqueue_indirect_dma source(%dma_start3A_41 : memref<10000x64xf32, #tpu.memory_space<hbm>>) target(%arg9 : memref<128x64xf32, #tpu.memory_space<vmem>>) offsets(%dma_start3A_34 : memref<128xi32, #tpu.memory_space<vmem>>) semaphore(%arg12 : memref<!tpu.dma_semaphore, #tpu.memory_space<semaphore_mem>>)
    %scan3A = arith.constant 0 : i32
    %scan3A_42 = arith.constant 0 : i32
    %scan3A_43 = arith.constant 78 : i32
    %scan3A_44 = arith.addi %scan3A_42, %scan3A_43 : i32
    %scan3A_45 = arith.constant 1 : i32
    scf.for %scan3A_63 = %scan3A_42 to %scan3A_44 step %scan3A_45  : i32 {
      %mul3A_64 = arith.constant 2 : i32
      %mul3A_65 = arith.muli %mul3A_64, %scan3A_63 : i32
      %dma_wait3A_66 = arith.constant 0 : i32
      %dma_wait3A_67 = tpu.memref_slice %arg7[%mul3A_65, %dma_wait3A_66] : memref<157x128xi32, #tpu.memory_space<vmem>> -> memref<1x128xi32, #tpu.memory_space<vmem>>
      %dma_wait3A_68 = tpu.memref_squeeze %dma_wait3A_67 : memref<1x128xi32, #tpu.memory_space<vmem>> -> memref<128xi32, #tpu.memory_space<vmem>>
      %dma_wait3A_69 = arith.constant 0 : i32
      %dma_wait3A_70 = arith.constant 0 : i32
      %dma_wait3A_71 = tpu.memref_slice %arg2[%arg0, %dma_wait3A_69, %dma_wait3A_70] : memref<2x10000x64xf32, #tpu.memory_space<hbm>> -> memref<1x10000x64xf32, #tpu.memory_space<hbm>>
      %dma_wait3A_72 = tpu.memref_squeeze %dma_wait3A_71 : memref<1x10000x64xf32, #tpu.memory_space<hbm>> -> memref<10000x64xf32, #tpu.memory_space<hbm>>
      %dma_wait3A_73 = arith.constant 0 : i32
      %dma_wait3A_74 = arith.constant 0 : i32
      %dma_wait3A_75 = tpu.memref_slice %dma_wait3A_72[%dma_wait3A_73, %dma_wait3A_74] : memref<10000x64xf32, #tpu.memory_space<hbm>> -> memref<10000x64xf32, #tpu.memory_space<hbm>>
      tpu.wait_indirect_dma semaphore(%arg12 : memref<!tpu.dma_semaphore, #tpu.memory_space<semaphore_mem>>) src(%dma_wait3A_75 : memref<10000x64xf32, #tpu.memory_space<hbm>>) dst(%arg9 : memref<128x64xf32, #tpu.memory_space<vmem>>)
      %add3A = arith.constant 1 : i32
      %add3A_76 = arith.addi %mul3A_65, %add3A : i32
      %dma_start3A_77 = arith.constant 0 : i32
      %dma_start3A_78 = tpu.memref_slice %arg7[%add3A_76, %dma_start3A_77] : memref<157x128xi32, #tpu.memory_space<vmem>> -> memref<1x128xi32, #tpu.memory_space<vmem>>
      %dma_start3A_79 = tpu.memref_squeeze %dma_start3A_78 : memref<1x128xi32, #tpu.memory_space<vmem>> -> memref<128xi32, #tpu.memory_space<vmem>>
      %dma_start3A_80 = arith.constant 0 : i32
      %dma_start3A_81 = arith.constant 0 : i32
      %dma_start3A_82 = tpu.memref_slice %arg2[%arg0, %dma_start3A_80, %dma_start3A_81] : memref<2x10000x64xf32, #tpu.memory_space<hbm>> -> memref<1x10000x64xf32, #tpu.memory_space<hbm>>
      %dma_start3A_83 = tpu.memref_squeeze %dma_start3A_82 : memref<1x10000x64xf32, #tpu.memory_space<hbm>> -> memref<10000x64xf32, #tpu.memory_space<hbm>>
      %dma_start3A_84 = arith.constant 0 : i32
      %dma_start3A_85 = arith.constant 0 : i32
      %dma_start3A_86 = tpu.memref_slice %dma_start3A_83[%dma_start3A_84, %dma_start3A_85] : memref<10000x64xf32, #tpu.memory_space<hbm>> -> memref<10000x64xf32, #tpu.memory_space<hbm>>
      tpu.enqueue_indirect_dma source(%dma_start3A_86 : memref<10000x64xf32, #tpu.memory_space<hbm>>) target(%arg10 : memref<128x64xf32, #tpu.memory_space<vmem>>) offsets(%dma_start3A_79 : memref<128xi32, #tpu.memory_space<vmem>>) semaphore(%arg13 : memref<!tpu.dma_semaphore, #tpu.memory_space<semaphore_mem>>)
      "tpu.region"() ({
        %run_scoped3A_113 = tpu.sem_alloc : memref<!tpu.dma_semaphore, #tpu.memory_space<semaphore_mem>>
        %dma_start3A_114 = arith.constant 0 : i32
        %dma_start3A_115 = tpu.memref_slice %arg8[%mul3A_65, %dma_start3A_114] : memref<157x128xi32, #tpu.memory_space<vmem>> -> memref<1x128xi32, #tpu.memory_space<vmem>>
        %dma_start3A_116 = tpu.memref_squeeze %dma_start3A_115 : memref<1x128xi32, #tpu.memory_space<vmem>> -> memref<128xi32, #tpu.memory_space<vmem>>
        %dma_start3A_117 = arith.constant 0 : i32
        %dma_start3A_118 = arith.constant 0 : i32
        %dma_start3A_119 = tpu.memref_slice %arg11[%dma_start3A_117, %dma_start3A_118] : memref<10240x64xf32, #tpu.memory_space<vmem_shared>> -> memref<10240x64xf32, #tpu.memory_space<vmem_shared>>
        tpu.enqueue_indirect_dma source(%arg9 : memref<128x64xf32, #tpu.memory_space<vmem>>) target(%dma_start3A_119 : memref<10240x64xf32, #tpu.memory_space<vmem_shared>>) offsets(%dma_start3A_116 : memref<128xi32, #tpu.memory_space<vmem>>) semaphore(%run_scoped3A_113 : memref<!tpu.dma_semaphore, #tpu.memory_space<semaphore_mem>>) {add = true}
        %dma_wait3A_120 = arith.constant 0 : i32
        %dma_wait3A_121 = tpu.memref_slice %arg8[%mul3A_65, %dma_wait3A_120] : memref<157x128xi32, #tpu.memory_space<vmem>> -> memref<1x128xi32, #tpu.memory_space<vmem>>
        %dma_wait3A_122 = tpu.memref_squeeze %dma_wait3A_121 : memref<1x128xi32, #tpu.memory_space<vmem>> -> memref<128xi32, #tpu.memory_space<vmem>>
        %dma_wait3A_123 = arith.constant 0 : i32
        %dma_wait3A_124 = arith.constant 0 : i32
        %dma_wait3A_125 = tpu.memref_slice %arg11[%dma_wait3A_123, %dma_wait3A_124] : memref<10240x64xf32, #tpu.memory_space<vmem_shared>> -> memref<10240x64xf32, #tpu.memory_space<vmem_shared>>
        tpu.wait_indirect_dma semaphore(%run_scoped3A_113 : memref<!tpu.dma_semaphore, #tpu.memory_space<semaphore_mem>>) src(%arg9 : memref<128x64xf32, #tpu.memory_space<vmem>>) dst(%dma_wait3A_125 : memref<10240x64xf32, #tpu.memory_space<vmem_shared>>)
        tpu.yield
      }) : () -> ()
      %add3A_87 = arith.constant 1 : i32
      %add3A_88 = arith.addi %mul3A_65, %add3A_87 : i32
      %dma_wait3A_89 = arith.constant 0 : i32
      %dma_wait3A_90 = tpu.memref_slice %arg7[%add3A_88, %dma_wait3A_89] : memref<157x128xi32, #tpu.memory_space<vmem>> -> memref<1x128xi32, #tpu.memory_space<vmem>>
      %dma_wait3A_91 = tpu.memref_squeeze %dma_wait3A_90 : memref<1x128xi32, #tpu.memory_space<vmem>> -> memref<128xi32, #tpu.memory_space<vmem>>
      %dma_wait3A_92 = arith.constant 0 : i32
      %dma_wait3A_93 = arith.constant 0 : i32
      %dma_wait3A_94 = tpu.memref_slice %arg2[%arg0, %dma_wait3A_92, %dma_wait3A_93] : memref<2x10000x64xf32, #tpu.memory_space<hbm>> -> memref<1x10000x64xf32, #tpu.memory_space<hbm>>
      %dma_wait3A_95 = tpu.memref_squeeze %dma_wait3A_94 : memref<1x10000x64xf32, #tpu.memory_space<hbm>> -> memref<10000x64xf32, #tpu.memory_space<hbm>>
      %dma_wait3A_96 = arith.constant 0 : i32
      %dma_wait3A_97 = arith.constant 0 : i32
      %dma_wait3A_98 = tpu.memref_slice %dma_wait3A_95[%dma_wait3A_96, %dma_wait3A_97] : memref<10000x64xf32, #tpu.memory_space<hbm>> -> memref<10000x64xf32, #tpu.memory_space<hbm>>
      tpu.wait_indirect_dma semaphore(%arg13 : memref<!tpu.dma_semaphore, #tpu.memory_space<semaphore_mem>>) src(%dma_wait3A_98 : memref<10000x64xf32, #tpu.memory_space<hbm>>) dst(%arg10 : memref<128x64xf32, #tpu.memory_space<vmem>>)
      %add3A_99 = arith.constant 2 : i32
      %add3A_100 = arith.addi %mul3A_65, %add3A_99 : i32
      %dma_start3A_101 = arith.constant 0 : i32
      %dma_start3A_102 = tpu.memref_slice %arg7[%add3A_100, %dma_start3A_101] : memref<157x128xi32, #tpu.memory_space<vmem>> -> memref<1x128xi32, #tpu.memory_space<vmem>>
      %dma_start3A_103 = tpu.memref_squeeze %dma_start3A_102 : memref<1x128xi32, #tpu.memory_space<vmem>> -> memref<128xi32, #tpu.memory_space<vmem>>
      %dma_start3A_104 = arith.constant 0 : i32
      %dma_start3A_105 = arith.constant 0 : i32
      %dma_start3A_106 = tpu.memref_slice %arg2[%arg0, %dma_start3A_104, %dma_start3A_105] : memref<2x10000x64xf32, #tpu.memory_space<hbm>> -> memref<1x10000x64xf32, #tpu.memory_space<hbm>>
      %dma_start3A_107 = tpu.memref_squeeze %dma_start3A_106 : memref<1x10000x64xf32, #tpu.memory_space<hbm>> -> memref<10000x64xf32, #tpu.memory_space<hbm>>
      %dma_start3A_108 = arith.constant 0 : i32
      %dma_start3A_109 = arith.constant 0 : i32
      %dma_start3A_110 = tpu.memref_slice %dma_start3A_107[%dma_start3A_108, %dma_start3A_109] : memref<10000x64xf32, #tpu.memory_space<hbm>> -> memref<10000x64xf32, #tpu.memory_space<hbm>>
      tpu.enqueue_indirect_dma source(%dma_start3A_110 : memref<10000x64xf32, #tpu.memory_space<hbm>>) target(%arg9 : memref<128x64xf32, #tpu.memory_space<vmem>>) offsets(%dma_start3A_103 : memref<128xi32, #tpu.memory_space<vmem>>) semaphore(%arg12 : memref<!tpu.dma_semaphore, #tpu.memory_space<semaphore_mem>>)
      %add3A_111 = arith.constant 1 : i32
      %add3A_112 = arith.addi %mul3A_65, %add3A_111 : i32
      "tpu.region"() ({
        %run_scoped3A_113 = tpu.sem_alloc : memref<!tpu.dma_semaphore, #tpu.memory_space<semaphore_mem>>
        %dma_start3A_114 = arith.constant 0 : i32
        %dma_start3A_115 = tpu.memref_slice %arg8[%add3A_112, %dma_start3A_114] : memref<157x128xi32, #tpu.memory_space<vmem>> -> memref<1x128xi32, #tpu.memory_space<vmem>>
        %dma_start3A_116 = tpu.memref_squeeze %dma_start3A_115 : memref<1x128xi32, #tpu.memory_space<vmem>> -> memref<128xi32, #tpu.memory_space<vmem>>
        %dma_start3A_117 = arith.constant 0 : i32
        %dma_start3A_118 = arith.constant 0 : i32
        %dma_start3A_119 = tpu.memref_slice %arg11[%dma_start3A_117, %dma_start3A_118] : memref<10240x64xf32, #tpu.memory_space<vmem_shared>> -> memref<10240x64xf32, #tpu.memory_space<vmem_shared>>
        tpu.enqueue_indirect_dma source(%arg10 : memref<128x64xf32, #tpu.memory_space<vmem>>) target(%dma_start3A_119 : memref<10240x64xf32, #tpu.memory_space<vmem_shared>>) offsets(%dma_start3A_116 : memref<128xi32, #tpu.memory_space<vmem>>) semaphore(%run_scoped3A_113 : memref<!tpu.dma_semaphore, #tpu.memory_space<semaphore_mem>>) {add = true}
        %dma_wait3A_120 = arith.constant 0 : i32
        %dma_wait3A_121 = tpu.memref_slice %arg8[%add3A_112, %dma_wait3A_120] : memref<157x128xi32, #tpu.memory_space<vmem>> -> memref<1x128xi32, #tpu.memory_space<vmem>>
        %dma_wait3A_122 = tpu.memref_squeeze %dma_wait3A_121 : memref<1x128xi32, #tpu.memory_space<vmem>> -> memref<128xi32, #tpu.memory_space<vmem>>
        %dma_wait3A_123 = arith.constant 0 : i32
        %dma_wait3A_124 = arith.constant 0 : i32
        %dma_wait3A_125 = tpu.memref_slice %arg11[%dma_wait3A_123, %dma_wait3A_124] : memref<10240x64xf32, #tpu.memory_space<vmem_shared>> -> memref<10240x64xf32, #tpu.memory_space<vmem_shared>>
        tpu.wait_indirect_dma semaphore(%run_scoped3A_113 : memref<!tpu.dma_semaphore, #tpu.memory_space<semaphore_mem>>) src(%arg10 : memref<128x64xf32, #tpu.memory_space<vmem>>) dst(%dma_wait3A_125 : memref<10240x64xf32, #tpu.memory_space<vmem_shared>>)
        tpu.yield
      }) : () -> ()
    }
    %scan3A_46 = arith.constant 78 : i32
    %dma_wait3A_47 = arith.constant 156 : i32
    %dma_wait3A_48 = arith.constant 0 : i32
    %dma_wait3A_49 = tpu.memref_slice %arg7[%dma_wait3A_47, %dma_wait3A_48] : memref<157x128xi32, #tpu.memory_space<vmem>> -> memref<1x128xi32, #tpu.memory_space<vmem>>
    %dma_wait3A_50 = tpu.memref_squeeze %dma_wait3A_49 : memref<1x128xi32, #tpu.memory_space<vmem>> -> memref<128xi32, #tpu.memory_space<vmem>>
    %dma_wait3A_51 = arith.constant 0 : i32
    %dma_wait3A_52 = arith.constant 0 : i32
    %dma_wait3A_53 = tpu.memref_slice %arg2[%arg0, %dma_wait3A_51, %dma_wait3A_52] : memref<2x10000x64xf32, #tpu.memory_space<hbm>> -> memref<1x10000x64xf32, #tpu.memory_space<hbm>>
    %dma_wait3A_54 = tpu.memref_squeeze %dma_wait3A_53 : memref<1x10000x64xf32, #tpu.memory_space<hbm>> -> memref<10000x64xf32, #tpu.memory_space<hbm>>
    %dma_wait3A_55 = arith.constant 0 : i32
    %dma_wait3A_56 = arith.constant 0 : i32
    %dma_wait3A_57 = tpu.memref_slice %dma_wait3A_54[%dma_wait3A_55, %dma_wait3A_56] : memref<10000x64xf32, #tpu.memory_space<hbm>> -> memref<10000x64xf32, #tpu.memory_space<hbm>>
    tpu.wait_indirect_dma semaphore(%arg12 : memref<!tpu.dma_semaphore, #tpu.memory_space<semaphore_mem>>) src(%dma_wait3A_57 : memref<10000x64xf32, #tpu.memory_space<hbm>>) dst(%arg9 : memref<128x64xf32, #tpu.memory_space<vmem>>)
    %run_scoped3A = arith.constant 156 : i32
    "tpu.region"() ({
      %run_scoped3A_63 = tpu.sem_alloc : memref<!tpu.dma_semaphore, #tpu.memory_space<semaphore_mem>>
      %dma_start3A_64 = arith.constant 0 : i32
      %dma_start3A_65 = tpu.memref_slice %arg8[%run_scoped3A, %dma_start3A_64] : memref<157x128xi32, #tpu.memory_space<vmem>> -> memref<1x128xi32, #tpu.memory_space<vmem>>
      %dma_start3A_66 = tpu.memref_squeeze %dma_start3A_65 : memref<1x128xi32, #tpu.memory_space<vmem>> -> memref<128xi32, #tpu.memory_space<vmem>>
      %dma_start3A_67 = arith.constant 0 : i32
      %dma_start3A_68 = arith.constant 0 : i32
      %dma_start3A_69 = tpu.memref_slice %arg11[%dma_start3A_67, %dma_start3A_68] : memref<10240x64xf32, #tpu.memory_space<vmem_shared>> -> memref<10240x64xf32, #tpu.memory_space<vmem_shared>>
      tpu.enqueue_indirect_dma source(%arg9 : memref<128x64xf32, #tpu.memory_space<vmem>>) target(%dma_start3A_69 : memref<10240x64xf32, #tpu.memory_space<vmem_shared>>) offsets(%dma_start3A_66 : memref<128xi32, #tpu.memory_space<vmem>>) semaphore(%run_scoped3A_63 : memref<!tpu.dma_semaphore, #tpu.memory_space<semaphore_mem>>) {add = true}
      %dma_wait3A_70 = arith.constant 0 : i32
      %dma_wait3A_71 = tpu.memref_slice %arg8[%run_scoped3A, %dma_wait3A_70] : memref<157x128xi32, #tpu.memory_space<vmem>> -> memref<1x128xi32, #tpu.memory_space<vmem>>
      %dma_wait3A_72 = tpu.memref_squeeze %dma_wait3A_71 : memref<1x128xi32, #tpu.memory_space<vmem>> -> memref<128xi32, #tpu.memory_space<vmem>>
      %dma_wait3A_73 = arith.constant 0 : i32
      %dma_wait3A_74 = arith.constant 0 : i32
      %dma_wait3A_75 = tpu.memref_slice %arg11[%dma_wait3A_73, %dma_wait3A_74] : memref<10240x64xf32, #tpu.memory_space<vmem_shared>> -> memref<10240x64xf32, #tpu.memory_space<vmem_shared>>
      tpu.wait_indirect_dma semaphore(%run_scoped3A_63 : memref<!tpu.dma_semaphore, #tpu.memory_space<semaphore_mem>>) src(%arg9 : memref<128x64xf32, #tpu.memory_space<vmem>>) dst(%dma_wait3A_75 : memref<10240x64xf32, #tpu.memory_space<vmem_shared>>)
      tpu.yield
    }) : () -> ()
    %barrier3A_58 = arith.constant 0 : index
    tpu.barrier barrier_id(%barrier3A_58)
    %mul3A_59 = arith.constant 640 : i32
    %mul3A_60 = arith.muli %arg1, %mul3A_59 : i32
    %mul3A_61 = arith.constant 640 : i32
    %mul3A_62 = arith.muli %arg1, %mul3A_61 : i32
    "tpu.region"() ({
      %run_scoped3A_63 = tpu.sem_alloc : memref<!tpu.dma_semaphore, #tpu.memory_space<semaphore_mem>>
      %dma_start3A_64 = arith.constant 0 : i32
      %dma_start3A_65 = tpu.memref_slice %arg6[%arg0, %mul3A_62, %dma_start3A_64] : memref<2x10240x64xf32, #tpu.memory_space<hbm>> -> memref<1x640x64xf32, #tpu.memory_space<hbm>>
      %dma_start3A_66 = tpu.memref_squeeze %dma_start3A_65 : memref<1x640x64xf32, #tpu.memory_space<hbm>> -> memref<640x64xf32, #tpu.memory_space<hbm>>
      %dma_start3A_67 = arith.constant 0 : i32
      %dma_start3A_68 = tpu.memref_slice %arg11[%mul3A_60, %dma_start3A_67] : memref<10240x64xf32, #tpu.memory_space<vmem_shared>> -> memref<640x64xf32, #tpu.memory_space<vmem_shared>>
      tpu.enqueue_dma source(%dma_start3A_68 : memref<640x64xf32, #tpu.memory_space<vmem_shared>>) target(%dma_start3A_66 : memref<640x64xf32, #tpu.memory_space<hbm>>) target_semaphore(%run_scoped3A_63 : memref<!tpu.dma_semaphore, #tpu.memory_space<semaphore_mem>>)
      %dma_wait3A_69 = arith.constant 0 : i32
      %dma_wait3A_70 = tpu.memref_slice %arg6[%arg0, %mul3A_62, %dma_wait3A_69] : memref<2x10240x64xf32, #tpu.memory_space<hbm>> -> memref<1x640x64xf32, #tpu.memory_space<hbm>>
      %dma_wait3A_71 = tpu.memref_squeeze %dma_wait3A_70 : memref<1x640x64xf32, #tpu.memory_space<hbm>> -> memref<640x64xf32, #tpu.memory_space<hbm>>
      %dma_wait3A_72 = arith.constant 0 : i32
      %dma_wait3A_73 = tpu.memref_slice %arg11[%mul3A_60, %dma_wait3A_72] : memref<10240x64xf32, #tpu.memory_space<vmem_shared>> -> memref<640x64xf32, #tpu.memory_space<vmem_shared>>
      tpu.wait_dma2 semaphore(%run_scoped3A_63 : memref<!tpu.dma_semaphore, #tpu.memory_space<semaphore_mem>>) src(%dma_wait3A_73 : memref<640x64xf32, #tpu.memory_space<vmem_shared>>) dst(%dma_wait3A_71 : memref<640x64xf32, #tpu.memory_space<hbm>>)
      tpu.yield
    }) : () -> ()
    return
  }
}

module attributes {stable_mosaic.version = 14 : i64} {
  func.func @_tc1a_body(%arg0: i32, %arg1: memref<2000x128xf32, #tpu.memory_space<vmem>>, %arg2: memref<128x128xf32, #tpu.memory_space<vmem>>, %arg3: memref<2000x128xf32, #tpu.memory_space<vmem>>) attributes {dimension_semantics = [#tpu.dimension_semantics<arbitrary>], iteration_bounds = array<i64: 5>, scalar_prefetch = 0 : i64, scratch_operands = 0 : i64, tpu.core_type = #tpu.core_type<tc>, window_params = [{transform_indices = @transform_0, window_bounds = array<i64: 2000, 128>}, {pipeline_mode = #tpu.pipeline_mode<synchronous>, transform_indices = @transform_1, window_bounds = array<i64: 128, 128>}, {transform_indices = @transform_2, window_bounds = array<i64: 2000, 128>}]} {
    %get3A = arith.constant 0 : index
    %get3A_0 = arith.constant 0 : index
    %get3A_1 = vector.load %arg1[%get3A, %get3A_0] : memref<2000x128xf32, #tpu.memory_space<vmem>>, vector<2000x128xf32>
    %get3A_2 = arith.constant 0 : index
    %get3A_3 = arith.constant 0 : index
    %get3A_4 = vector.load %arg2[%get3A_2, %get3A_3] : memref<128x128xf32, #tpu.memory_space<vmem>>, vector<128x128xf32>
    %dot_general3A = arith.constant dense<0.000000e+00> : vector<2000x128xf32>
    %dot_general3A_5 = tpu.matmul %get3A_1, %get3A_4, %dot_general3A {dimension_numbers = #tpu.dot_dimension_numbers<[1], [0], [0], [1], [0, 0, 1, 1], [], []>, transpose_lhs_hint = false} : vector<2000x128xf32>, vector<128x128xf32>, vector<2000x128xf32> -> vector<2000x128xf32>
    %swap3A = arith.constant 0 : index
    %swap3A_6 = arith.constant 0 : index
    %swap3A_7 = vector.load %arg3[%swap3A, %swap3A_6] : memref<2000x128xf32, #tpu.memory_space<vmem>>, vector<2000x128xf32>
    tpu.vector_store %arg3[%swap3A, %swap3A_6], %dot_general3A_5 {strides = array<i32>} : memref<2000x128xf32, #tpu.memory_space<vmem>>, vector<2000x128xf32>,
    return
  }
  func.func @transform_0(%arg0: i32) -> (i32, i32) {
    %c0_i32 = arith.constant 0 : i32
    %c0_i32_0 = arith.constant 0 : i32
    return %arg0, %c0_i32 : i32, i32
  }
  func.func @transform_1(%arg0: i32) -> (i32, i32) {
    %c0_i32 = arith.constant 0 : i32
    %c0_i32_0 = arith.constant 0 : i32
    %c0_i32_1 = arith.constant 0 : i32
    return %c0_i32, %c0_i32_0 : i32, i32
  }
  func.func @transform_2(%arg0: i32) -> (i32, i32) {
    %c0_i32 = arith.constant 0 : i32
    %c0_i32_0 = arith.constant 0 : i32
    return %arg0, %c0_i32 : i32, i32
  }
}

module attributes {stable_mosaic.version = 14 : i64} {
  func.func @_tc1b_body(%arg0: i32, %arg1: memref<2000x1xf32, #tpu.memory_space<vmem>>, %arg2: memref<2000x128xf32, #tpu.memory_space<vmem>>, %arg3: memref<2x2000x64xf32, #tpu.memory_space<vmem>>, %arg4: memref<2000x1xf32, #tpu.memory_space<vmem>>) attributes {dimension_semantics = [#tpu.dimension_semantics<arbitrary>], iteration_bounds = array<i64: 5>, scalar_prefetch = 0 : i64, scratch_operands = 0 : i64, tpu.core_type = #tpu.core_type<tc>, window_params = [{transform_indices = @transform_0, window_bounds = array<i64: 2000, 1>}, {transform_indices = @transform_1, window_bounds = array<i64: 2000, 128>}, {transform_indices = @transform_2, window_bounds = array<i64: 2, 2000, 64>}, {transform_indices = @transform_3, window_bounds = array<i64: 2000, 1>}]} {
    %get3A = arith.constant 0 : index
    %get3A_0 = arith.constant 0 : index
    %get3A_1 = vector.load %arg1[%get3A, %get3A_0] : memref<2000x1xf32, #tpu.memory_space<vmem>>, vector<2000x1xf32>
    %add3A = arith.constant 1.000000e+00 : f32
    %add3A_2 = vector.broadcast %add3A : f32 to vector<2000x1xf32>
    %add3A_3 = arith.addf %get3A_1, %add3A_2 : vector<2000x1xf32>
    %rsqrt3A = math.rsqrt %add3A_3 : vector<2000x1xf32>
    %get3A_4 = arith.constant 0 : index
    %get3A_5 = arith.constant 0 : index
    %get3A_6 = vector.load %arg2[%get3A_4, %get3A_5] : memref<2000x128xf32, #tpu.memory_space<vmem>>, vector<2000x128xf32>
    %mul3A = vector.broadcast %rsqrt3A : vector<2000x1xf32> to vector<2000x128xf32>
    %mul3A_7 = arith.mulf %mul3A, %get3A_6 : vector<2000x128xf32>
    %slice3A = vector.extract_strided_slice %mul3A_7 {offsets = [0, 0], sizes = [2000, 64], strides = [1, 1]} : vector<2000x128xf32> to vector<2000x64xf32>
    %swap3A = arith.constant 0 : index
    %swap3A_8 = arith.constant 0 : index
    %swap3A_9 = arith.constant 0 : index
    %swap3A_10 = vector.load %arg3[%swap3A, %swap3A_8, %swap3A_9] : memref<2x2000x64xf32, #tpu.memory_space<vmem>>, vector<1x2000x64xf32>
    %swap3A_11 = vector.shape_cast %swap3A_10 : vector<1x2000x64xf32> to vector<2000x64xf32>
    %swap3A_12 = vector.shape_cast %slice3A : vector<2000x64xf32> to vector<1x2000x64xf32>
    tpu.vector_store %arg3[%swap3A, %swap3A_8, %swap3A_9], %swap3A_12 {strides = array<i32>} : memref<2x2000x64xf32, #tpu.memory_space<vmem>>, vector<1x2000x64xf32>,
    %slice3A_13 = vector.extract_strided_slice %mul3A_7 {offsets = [0, 64], sizes = [2000, 64], strides = [1, 1]} : vector<2000x128xf32> to vector<2000x64xf32>
    %swap3A_14 = arith.constant 1 : index
    %swap3A_15 = arith.constant 0 : index
    %swap3A_16 = arith.constant 0 : index
    %swap3A_17 = vector.load %arg3[%swap3A_14, %swap3A_15, %swap3A_16] : memref<2x2000x64xf32, #tpu.memory_space<vmem>>, vector<1x2000x64xf32>
    %swap3A_18 = vector.shape_cast %swap3A_17 : vector<1x2000x64xf32> to vector<2000x64xf32>
    %swap3A_19 = vector.shape_cast %slice3A_13 : vector<2000x64xf32> to vector<1x2000x64xf32>
    tpu.vector_store %arg3[%swap3A_14, %swap3A_15, %swap3A_16], %swap3A_19 {strides = array<i32>} : memref<2x2000x64xf32, #tpu.memory_space<vmem>>, vector<1x2000x64xf32>,
    %swap3A_20 = arith.constant 0 : index
    %swap3A_21 = arith.constant 0 : index
    %swap3A_22 = vector.load %arg4[%swap3A_20, %swap3A_21] : memref<2000x1xf32, #tpu.memory_space<vmem>>, vector<2000x1xf32>
    tpu.vector_store %arg4[%swap3A_20, %swap3A_21], %rsqrt3A {strides = array<i32>} : memref<2000x1xf32, #tpu.memory_space<vmem>>, vector<2000x1xf32>,
    return
  }
  func.func @transform_0(%arg0: i32) -> (i32, i32) {
    %c0_i32 = arith.constant 0 : i32
    %c0_i32_0 = arith.constant 0 : i32
    return %arg0, %c0_i32 : i32, i32
  }
  func.func @transform_1(%arg0: i32) -> (i32, i32) {
    %c0_i32 = arith.constant 0 : i32
    %c0_i32_0 = arith.constant 0 : i32
    return %arg0, %c0_i32 : i32, i32
  }
  func.func @transform_2(%arg0: i32) -> (i32, i32, i32) {
    %c0_i32 = arith.constant 0 : i32
    %c0_i32_0 = arith.constant 0 : i32
    %c0_i32_1 = arith.constant 0 : i32
    return %c0_i32, %arg0, %c0_i32_0 : i32, i32, i32
  }
  func.func @transform_3(%arg0: i32) -> (i32, i32) {
    %c0_i32 = arith.constant 0 : i32
    %c0_i32_0 = arith.constant 0 : i32
    return %arg0, %c0_i32 : i32, i32
  }
}

module attributes {stable_mosaic.version = 14 : i64} {
  func.func @_tc2_body(%arg0: i32, %arg1: memref<1x2000x64xf32, #tpu.memory_space<vmem>>, %arg2: memref<1x2000x64xf32, #tpu.memory_space<vmem>>, %arg3: memref<1x2000x64xf32, #tpu.memory_space<vmem>>, %arg4: memref<1x2000x64xf32, #tpu.memory_space<vmem>>, %arg5: memref<2000x1xf32, #tpu.memory_space<vmem>>, %arg6: memref<1x128xf32, #tpu.memory_space<vmem>>, %arg7: memref<128x128xf32, #tpu.memory_space<vmem>>, %arg8: memref<2x2000x64xf32, #tpu.memory_space<vmem>>) attributes {dimension_semantics = [#tpu.dimension_semantics<arbitrary>], iteration_bounds = array<i64: 5>, scalar_prefetch = 0 : i64, scratch_operands = 0 : i64, tpu.core_type = #tpu.core_type<tc>, window_params = [{transform_indices = @transform_0, window_bounds = array<i64: 1, 2000, 64>}, {transform_indices = @transform_1, window_bounds = array<i64: 1, 2000, 64>}, {transform_indices = @transform_2, window_bounds = array<i64: 1, 2000, 64>}, {transform_indices = @transform_3, window_bounds = array<i64: 1, 2000, 64>}, {transform_indices = @transform_4, window_bounds = array<i64: 2000, 1>}, {pipeline_mode = #tpu.pipeline_mode<synchronous>, transform_indices = @transform_5, window_bounds = array<i64: 1, 128>}, {pipeline_mode = #tpu.pipeline_mode<synchronous>, transform_indices = @transform_6, window_bounds = array<i64: 128, 128>}, {transform_indices = @transform_7, window_bounds = array<i64: 2, 2000, 64>}]} {
    %get3A = arith.constant 0 : index
    %get3A_0 = arith.constant 0 : index
    %get3A_1 = vector.load %arg5[%get3A, %get3A_0] : memref<2000x1xf32, #tpu.memory_space<vmem>>, vector<2000x1xf32>
    %get3A_2 = arith.constant 0 : index
    %get3A_3 = arith.constant 0 : index
    %get3A_4 = arith.constant 0 : index
    %get3A_5 = vector.load %arg1[%get3A_2, %get3A_3, %get3A_4] : memref<1x2000x64xf32, #tpu.memory_space<vmem>>, vector<1x2000x64xf32>
    %get3A_6 = vector.shape_cast %get3A_5 : vector<1x2000x64xf32> to vector<2000x64xf32>
    %get3A_7 = arith.constant 0 : index
    %get3A_8 = arith.constant 0 : index
    %get3A_9 = arith.constant 0 : index
    %get3A_10 = vector.load %arg3[%get3A_7, %get3A_8, %get3A_9] : memref<1x2000x64xf32, #tpu.memory_space<vmem>>, vector<1x2000x64xf32>
    %get3A_11 = vector.shape_cast %get3A_10 : vector<1x2000x64xf32> to vector<2000x64xf32>
    %add3A = arith.addf %get3A_6, %get3A_11 : vector<2000x64xf32>
    %get3A_12 = arith.constant 0 : index
    %get3A_13 = arith.constant 0 : index
    %get3A_14 = arith.constant 0 : index
    %get3A_15 = vector.load %arg2[%get3A_12, %get3A_13, %get3A_14] : memref<1x2000x64xf32, #tpu.memory_space<vmem>>, vector<1x2000x64xf32>
    %get3A_16 = vector.shape_cast %get3A_15 : vector<1x2000x64xf32> to vector<2000x64xf32>
    %get3A_17 = arith.constant 0 : index
    %get3A_18 = arith.constant 0 : index
    %get3A_19 = arith.constant 0 : index
    %get3A_20 = vector.load %arg4[%get3A_17, %get3A_18, %get3A_19] : memref<1x2000x64xf32, #tpu.memory_space<vmem>>, vector<1x2000x64xf32>
    %get3A_21 = vector.shape_cast %get3A_20 : vector<1x2000x64xf32> to vector<2000x64xf32>
    %add3A_22 = arith.addf %get3A_16, %get3A_21 : vector<2000x64xf32>
    %concatenate3A = tpu.concatenate %add3A, %add3A_22 in 1 : vector<2000x64xf32>, vector<2000x64xf32> -> vector<2000x128xf32>
    %mul3A = vector.broadcast %get3A_1 : vector<2000x1xf32> to vector<2000x128xf32>
    %mul3A_23 = arith.mulf %mul3A, %concatenate3A : vector<2000x128xf32>
    %get3A_24 = arith.constant 0 : index
    %get3A_25 = arith.constant 0 : index
    %get3A_26 = vector.load %arg6[%get3A_24, %get3A_25] : memref<1x128xf32, #tpu.memory_space<vmem>>, vector<1x128xf32>
    %add3A_27 = vector.broadcast %get3A_26 : vector<1x128xf32> to vector<2000x128xf32>
    %add3A_28 = arith.addf %mul3A_23, %add3A_27 : vector<2000x128xf32>
    %max3A = arith.constant 0.000000e+00 : f32
    %max3A_29 = vector.broadcast %max3A : f32 to vector<2000x128xf32>
    %max3A_30 = arith.maximumf %add3A_28, %max3A_29 : vector<2000x128xf32>
    %get3A_31 = arith.constant 0 : index
    %get3A_32 = arith.constant 0 : index
    %get3A_33 = vector.load %arg7[%get3A_31, %get3A_32] : memref<128x128xf32, #tpu.memory_space<vmem>>, vector<128x128xf32>
    %dot_general3A = arith.constant dense<0.000000e+00> : vector<2000x128xf32>
    %dot_general3A_34 = tpu.matmul %max3A_30, %get3A_33, %dot_general3A {dimension_numbers = #tpu.dot_dimension_numbers<[1], [0], [0], [1], [0, 0, 1, 1], [], []>, transpose_lhs_hint = false} : vector<2000x128xf32>, vector<128x128xf32>, vector<2000x128xf32> -> vector<2000x128xf32>
    %mul3A_35 = vector.broadcast %get3A_1 : vector<2000x1xf32> to vector<2000x128xf32>
    %mul3A_36 = arith.mulf %mul3A_35, %dot_general3A_34 : vector<2000x128xf32>
    %slice3A = vector.extract_strided_slice %mul3A_36 {offsets = [0, 0], sizes = [2000, 64], strides = [1, 1]} : vector<2000x128xf32> to vector<2000x64xf32>
    %swap3A = arith.constant 0 : index
    %swap3A_37 = arith.constant 0 : index
    %swap3A_38 = arith.constant 0 : index
    %swap3A_39 = vector.load %arg8[%swap3A, %swap3A_37, %swap3A_38] : memref<2x2000x64xf32, #tpu.memory_space<vmem>>, vector<1x2000x64xf32>
    %swap3A_40 = vector.shape_cast %swap3A_39 : vector<1x2000x64xf32> to vector<2000x64xf32>
    %swap3A_41 = vector.shape_cast %slice3A : vector<2000x64xf32> to vector<1x2000x64xf32>
    tpu.vector_store %arg8[%swap3A, %swap3A_37, %swap3A_38], %swap3A_41 {strides = array<i32>} : memref<2x2000x64xf32, #tpu.memory_space<vmem>>, vector<1x2000x64xf32>,
    %slice3A_42 = vector.extract_strided_slice %mul3A_36 {offsets = [0, 64], sizes = [2000, 64], strides = [1, 1]} : vector<2000x128xf32> to vector<2000x64xf32>
    %swap3A_43 = arith.constant 1 : index
    %swap3A_44 = arith.constant 0 : index
    %swap3A_45 = arith.constant 0 : index
    %swap3A_46 = vector.load %arg8[%swap3A_43, %swap3A_44, %swap3A_45] : memref<2x2000x64xf32, #tpu.memory_space<vmem>>, vector<1x2000x64xf32>
    %swap3A_47 = vector.shape_cast %swap3A_46 : vector<1x2000x64xf32> to vector<2000x64xf32>
    %swap3A_48 = vector.shape_cast %slice3A_42 : vector<2000x64xf32> to vector<1x2000x64xf32>
    tpu.vector_store %arg8[%swap3A_43, %swap3A_44, %swap3A_45], %swap3A_48 {strides = array<i32>} : memref<2x2000x64xf32, #tpu.memory_space<vmem>>, vector<1x2000x64xf32>,
    return
  }
  func.func @transform_0(%arg0: i32) -> (i32, i32, i32) {
    %c0_i32 = arith.constant 0 : i32
    %c0_i32_0 = arith.constant 0 : i32
    %c0_i32_1 = arith.constant 0 : i32
    return %c0_i32, %arg0, %c0_i32_0 : i32, i32, i32
  }
  func.func @transform_1(%arg0: i32) -> (i32, i32, i32) {
    %c1_i32 = arith.constant 1 : i32
    %c0_i32 = arith.constant 0 : i32
    %c0_i32_0 = arith.constant 0 : i32
    return %c1_i32, %arg0, %c0_i32 : i32, i32, i32
  }
  func.func @transform_2(%arg0: i32) -> (i32, i32, i32) {
    %c0_i32 = arith.constant 0 : i32
    %c0_i32_0 = arith.constant 0 : i32
    %c0_i32_1 = arith.constant 0 : i32
    return %c0_i32, %arg0, %c0_i32_0 : i32, i32, i32
  }
  func.func @transform_3(%arg0: i32) -> (i32, i32, i32) {
    %c1_i32 = arith.constant 1 : i32
    %c0_i32 = arith.constant 0 : i32
    %c0_i32_0 = arith.constant 0 : i32
    return %c1_i32, %arg0, %c0_i32 : i32, i32, i32
  }
  func.func @transform_4(%arg0: i32) -> (i32, i32) {
    %c0_i32 = arith.constant 0 : i32
    %c0_i32_0 = arith.constant 0 : i32
    return %arg0, %c0_i32 : i32, i32
  }
  func.func @transform_5(%arg0: i32) -> (i32, i32) {
    %c0_i32 = arith.constant 0 : i32
    %c0_i32_0 = arith.constant 0 : i32
    %c0_i32_1 = arith.constant 0 : i32
    return %c0_i32, %c0_i32_0 : i32, i32
  }
  func.func @transform_6(%arg0: i32) -> (i32, i32) {
    %c0_i32 = arith.constant 0 : i32
    %c0_i32_0 = arith.constant 0 : i32
    %c0_i32_1 = arith.constant 0 : i32
    return %c0_i32, %c0_i32_0 : i32, i32
  }
  func.func @transform_7(%arg0: i32) -> (i32, i32, i32) {
    %c0_i32 = arith.constant 0 : i32
    %c0_i32_0 = arith.constant 0 : i32
    %c0_i32_1 = arith.constant 0 : i32
    return %c0_i32, %arg0, %c0_i32_0 : i32, i32, i32
  }
}

module attributes {stable_mosaic.version = 14 : i64} {
  func.func @_tc3_body(%arg0: i32, %arg1: memref<1x2000x64xf32, #tpu.memory_space<vmem>>, %arg2: memref<1x2000x64xf32, #tpu.memory_space<vmem>>, %arg3: memref<1x2000x64xf32, #tpu.memory_space<vmem>>, %arg4: memref<1x2000x64xf32, #tpu.memory_space<vmem>>, %arg5: memref<2000x1xf32, #tpu.memory_space<vmem>>, %arg6: memref<1x128xf32, #tpu.memory_space<vmem>>, %arg7: memref<2000x128xf32, #tpu.memory_space<vmem>>) attributes {dimension_semantics = [#tpu.dimension_semantics<arbitrary>], iteration_bounds = array<i64: 5>, scalar_prefetch = 0 : i64, scratch_operands = 0 : i64, tpu.core_type = #tpu.core_type<tc>, window_params = [{transform_indices = @transform_0, window_bounds = array<i64: 1, 2000, 64>}, {transform_indices = @transform_1, window_bounds = array<i64: 1, 2000, 64>}, {transform_indices = @transform_2, window_bounds = array<i64: 1, 2000, 64>}, {transform_indices = @transform_3, window_bounds = array<i64: 1, 2000, 64>}, {transform_indices = @transform_4, window_bounds = array<i64: 2000, 1>}, {pipeline_mode = #tpu.pipeline_mode<synchronous>, transform_indices = @transform_5, window_bounds = array<i64: 1, 128>}, {transform_indices = @transform_6, window_bounds = array<i64: 2000, 128>}]} {
    %get3A = arith.constant 0 : index
    %get3A_0 = arith.constant 0 : index
    %get3A_1 = vector.load %arg5[%get3A, %get3A_0] : memref<2000x1xf32, #tpu.memory_space<vmem>>, vector<2000x1xf32>
    %get3A_2 = arith.constant 0 : index
    %get3A_3 = arith.constant 0 : index
    %get3A_4 = arith.constant 0 : index
    %get3A_5 = vector.load %arg1[%get3A_2, %get3A_3, %get3A_4] : memref<1x2000x64xf32, #tpu.memory_space<vmem>>, vector<1x2000x64xf32>
    %get3A_6 = vector.shape_cast %get3A_5 : vector<1x2000x64xf32> to vector<2000x64xf32>
    %get3A_7 = arith.constant 0 : index
    %get3A_8 = arith.constant 0 : index
    %get3A_9 = arith.constant 0 : index
    %get3A_10 = vector.load %arg3[%get3A_7, %get3A_8, %get3A_9] : memref<1x2000x64xf32, #tpu.memory_space<vmem>>, vector<1x2000x64xf32>
    %get3A_11 = vector.shape_cast %get3A_10 : vector<1x2000x64xf32> to vector<2000x64xf32>
    %add3A = arith.addf %get3A_6, %get3A_11 : vector<2000x64xf32>
    %get3A_12 = arith.constant 0 : index
    %get3A_13 = arith.constant 0 : index
    %get3A_14 = arith.constant 0 : index
    %get3A_15 = vector.load %arg2[%get3A_12, %get3A_13, %get3A_14] : memref<1x2000x64xf32, #tpu.memory_space<vmem>>, vector<1x2000x64xf32>
    %get3A_16 = vector.shape_cast %get3A_15 : vector<1x2000x64xf32> to vector<2000x64xf32>
    %get3A_17 = arith.constant 0 : index
    %get3A_18 = arith.constant 0 : index
    %get3A_19 = arith.constant 0 : index
    %get3A_20 = vector.load %arg4[%get3A_17, %get3A_18, %get3A_19] : memref<1x2000x64xf32, #tpu.memory_space<vmem>>, vector<1x2000x64xf32>
    %get3A_21 = vector.shape_cast %get3A_20 : vector<1x2000x64xf32> to vector<2000x64xf32>
    %add3A_22 = arith.addf %get3A_16, %get3A_21 : vector<2000x64xf32>
    %concatenate3A = tpu.concatenate %add3A, %add3A_22 in 1 : vector<2000x64xf32>, vector<2000x64xf32> -> vector<2000x128xf32>
    %mul3A = vector.broadcast %get3A_1 : vector<2000x1xf32> to vector<2000x128xf32>
    %mul3A_23 = arith.mulf %mul3A, %concatenate3A : vector<2000x128xf32>
    %get3A_24 = arith.constant 0 : index
    %get3A_25 = arith.constant 0 : index
    %get3A_26 = vector.load %arg6[%get3A_24, %get3A_25] : memref<1x128xf32, #tpu.memory_space<vmem>>, vector<1x128xf32>
    %add3A_27 = vector.broadcast %get3A_26 : vector<1x128xf32> to vector<2000x128xf32>
    %add3A_28 = arith.addf %mul3A_23, %add3A_27 : vector<2000x128xf32>
    %max3A = arith.constant 0.000000e+00 : f32
    %max3A_29 = vector.broadcast %max3A : f32 to vector<2000x128xf32>
    %max3A_30 = arith.maximumf %add3A_28, %max3A_29 : vector<2000x128xf32>
    %swap3A = arith.constant 0 : index
    %swap3A_31 = arith.constant 0 : index
    %swap3A_32 = vector.load %arg7[%swap3A, %swap3A_31] : memref<2000x128xf32, #tpu.memory_space<vmem>>, vector<2000x128xf32>
    tpu.vector_store %arg7[%swap3A, %swap3A_31], %max3A_30 {strides = array<i32>} : memref<2000x128xf32, #tpu.memory_space<vmem>>, vector<2000x128xf32>,
    return
  }
  func.func @transform_0(%arg0: i32) -> (i32, i32, i32) {
    %c0_i32 = arith.constant 0 : i32
    %c0_i32_0 = arith.constant 0 : i32
    %c0_i32_1 = arith.constant 0 : i32
    return %c0_i32, %arg0, %c0_i32_0 : i32, i32, i32
  }
  func.func @transform_1(%arg0: i32) -> (i32, i32, i32) {
    %c1_i32 = arith.constant 1 : i32
    %c0_i32 = arith.constant 0 : i32
    %c0_i32_0 = arith.constant 0 : i32
    return %c1_i32, %arg0, %c0_i32 : i32, i32, i32
  }
  func.func @transform_2(%arg0: i32) -> (i32, i32, i32) {
    %c0_i32 = arith.constant 0 : i32
    %c0_i32_0 = arith.constant 0 : i32
    %c0_i32_1 = arith.constant 0 : i32
    return %c0_i32, %arg0, %c0_i32_0 : i32, i32, i32
  }
  func.func @transform_3(%arg0: i32) -> (i32, i32, i32) {
    %c1_i32 = arith.constant 1 : i32
    %c0_i32 = arith.constant 0 : i32
    %c0_i32_0 = arith.constant 0 : i32
    return %c1_i32, %arg0, %c0_i32 : i32, i32, i32
  }
  func.func @transform_4(%arg0: i32) -> (i32, i32) {
    %c0_i32 = arith.constant 0 : i32
    %c0_i32_0 = arith.constant 0 : i32
    return %arg0, %c0_i32 : i32, i32
  }
  func.func @transform_5(%arg0: i32) -> (i32, i32) {
    %c0_i32 = arith.constant 0 : i32
    %c0_i32_0 = arith.constant 0 : i32
    %c0_i32_1 = arith.constant 0 : i32
    return %c0_i32, %c0_i32_0 : i32, i32
  }
  func.func @transform_6(%arg0: i32) -> (i32, i32) {
    %c0_i32 = arith.constant 0 : i32
    %c0_i32_0 = arith.constant 0 : i32
    return %arg0, %c0_i32 : i32, i32
  }
}

</mosaic_0001>

<sc_bundles>
// kernel: kernel.12.cloned.1.call-start
scs
__scs_entry_jumppad:
0x0: {  	(pc) =	sbr.rel $0x88, $3  }
0x1: {  	(tag) =	ssettag $0x0;
	lr =	simm.s32 $0x1  }
0x2: {  	[smem:$0x3F9B] =	sst lr;
	_ =	strace $0xD0000000  }
0x3: {  	_ = 	snop  }
0x4: {  	_ = 	snop  }
0x5: {  	_ = 	snop  }
0x6: {  	_ = 	snop  }
0x7: {  	_ = 	snop  }
__scs_overlays_trampoline_lowered:
0x8: {  	[smem:$0x3FAA] =	sst s0  }
0x9: {  	[smem:$0x3FAB] =	sst s1  }
0xa: {  	[smem:$0x3FAC] =	sst s2  }
0xb: {  	[smem:$0x3FAD] =	sst s3  }
0xc: {  	[smem:$0x3FAE] =	sst s4  }
0xd: {  	[smem:$0x3FAF] =	sst s5  }
0xe: {  	[smem:$0x3FB0] =	sst s6  }
0xf: {  	[smem:$0x3FB1] =	sst s7  }
0x10: {  	[smem:$0x3FB2] =	sst s8  }
0x11: {  	[smem:$0x3FB3] =	sst s9;
	s0 =	simm.s32 @!p0 $0x0  }
0x12: {  	s1 =	sld [smem:$0x3F99];
	s0 =	simm.s32 @p0 $0x1  }
0x13: {  	[smem:$0x3FB4] =	sst s0;
	s0 =	simm.s32 @!p1 $0x0  }
0x14: {  	s2 =	sld [smem:$0x3F98];
	s0 =	simm.s32 @p1 $0x1  }
0x15: {  	[smem:$0x3FB5] =	sst s0;
	s0 =	simm.s32 @!p2 $0x0  }
0x16: {  	s3 =	sld [smem:$0x3FDB];
	s0 =	simm.s32 @p2 $0x1  }
0x17: {  	s4 =	simm.s32 $0x1BF5;
	[smem:$0x3FB7] =	sst s0  }
0x18: {  	s0 =	sld [smem:$0x3F9A];
	_ =	swait.ge [sflag:s4], $0x0  }
0x19: {  	s7 =	sld [smem:$0x3F9B]  }
0x1a: {  	s8 =	sadd.s32 $0xFFFFE003, lr  }
0x1b: {  	s9 =	sadd.s32 $0xFFFFFEF7, lr;
	s5 =	simm.s32 $0xFFFFFFFF;
	p2 =	slt.u32 s8, $0xFFFFF086  }
0x1c: {  	p1 =	slt.u32 s9, $0xF7A;
	s5 =	simm.s32 @!p2 $0x0  }
0x1d: {  	s5 =	simm.s32 @p1 $0x1;
	p0 =	seq.s32 s7, s2  }
0x1e: {  	s7 =	smul.u32 @!p0 $0xF7A, s2;
	p2 =	seq.s32 @!p0 s5, $0x0  }
0x1f: {  	s9 =	smul.u32 $0xF7A, s1;
	s8 =	simm.s32 @!p0 $0x1BF5;
	p2 =	por !p2, p0  }
0x20: {  	[sflag:s8] =	ssyncset.s32 @!p0 $0xFFFFF086;
	s6 =	sadd.s32 @!p0 s3, s7;
	s7 =	simm.s32 @!p0 $0x108  }
0x21: {  	s3 =	sadd.s32 s3, s9;
	s6 =	sadd.s32 @!p0 $0x88, s6;
	s7 =	simm.s32 @p2 $0x1082  }
0x22: {  	[simem:s7], [sflag:s8] =	dma.local @!p0 [hbm:s6], $0xF7A  }
0x23: {  	s9 =	sor.u32 $0xD0000000, s2;
	s6 =	simm.s32 $0x108;
	_ =	swait.ge @!p0 [sflag:s8], $0x0  }
0x24: {  	s3 =	sadd.s32 $0x88, s3;
	s6 =	simm.s32 @!p1 $0x1082;
	[sflag:s4] =	ssyncset.s32 $0xFFFFF086  }
0x25: {  	[simem:s6], [sflag:s4] =	dma.local [hbm:s3], $0xF7A  }
0x26: {  	[smem:$0x3F9B] =	sst s1;
	(tag) =	ssettag s2;
	_ =	strace s9  }
0x27: {  	s1 =	sld [smem:$0x3FAB]  }
0x28: {  	s2 =	sld [smem:$0x3FAC]  }
0x29: {  	s4 =	sld [smem:$0x3FAE]  }
0x2a: {  	p0 =	seq.s32 s5, $0x0;
	s5 =	sld [smem:$0x3FAF]  }
0x2b: {  	s6 =	sld [smem:$0x3FB0]  }
0x2c: {  	s7 =	sld [smem:$0x3FB1]  }
0x2d: {  	s3 =	simm.s32 $0x108;
	s8 =	sld [smem:$0x3FB2]  }
0x2e: {  	s3 =	simm.s32 @!p0 $0x1082;
	s9 =	sld [smem:$0x3FB3]  }
0x2f: {  	lr =	sadd.s32 s0, s3;
	s0 =	sld [smem:$0x3FAA]  }
0x30: {  	s3 =	sld [smem:$0x3FAD]  }
0x31: {  	[smem:$0x3FB6] =	sst s10  }
0x32: {  	s10 =	sld [smem:$0x3FB4];
	_ =	sdelay $0x3  }
0x33: {  	p0 =	seq.s32 s10, $0x1;
	s10 =	sld [smem:$0x3FB6];
	_ =	sdelay $0x3  }
0x34: {  	[smem:$0x3FB6] =	sst s10  }
0x35: {  	s10 =	sld [smem:$0x3FB5];
	_ =	sdelay $0x3  }
0x36: {  	p1 =	seq.s32 s10, $0x1;
	s10 =	sld [smem:$0x3FB6];
	_ =	sdelay $0x3  }
0x37: {  	[smem:$0x3FB6] =	sst s10  }
0x38: {  	s10 =	sld [smem:$0x3FB7]  }
0x39: {  	_ = 	snop;
	(pc) =	sbr.ind lr, $3  }
0x3a: {  	_ = 	snop  }
0x3b: {  	_ = 	snop  }
0x3c: {  	p2 =	seq.s32 s10, $0x1;
	s10 =	sld [smem:$0x3FB6]  }
0x3d: {  	_ =	shalt  }
0x3e: {  	_ =	shalt  }
0x3f: {  	_ =	shalt  }
0x40: {  	_ =	shalt  }
0x41: {  	_ =	shalt  }
0x42: {  	_ =	shalt  }
0x43: {  	_ =	shalt  }
0x44: {  	_ =	shalt  }
0x45: {  	_ =	shalt  }
0x46: {  	_ =	shalt  }
0x47: {  	_ =	shalt  }
0x48: {  	_ =	shalt  }
0x49: {  	_ =	shalt  }
0x4a: {  	_ =	shalt  }
0x4b: {  	_ =	shalt  }
0x4c: {  	_ =	shalt  }
0x4d: {  	_ =	shalt  }
0x4e: {  	_ =	shalt  }
0x4f: {  	_ =	shalt  }
0x50: {  	_ =	shalt  }
0x51: {  	_ =	shalt  }
0x52: {  	_ =	shalt  }
0x53: {  	_ =	shalt  }
0x54: {  	_ =	shalt  }
0x55: {  	_ =	shalt  }
0x56: {  	_ =	shalt  }
0x57: {  	_ =	shalt  }
0x58: {  	_ =	shalt  }
0x59: {  	_ =	shalt  }
0x5a: {  	_ =	shalt  }
0x5b: {  	_ =	shalt  }
0x5c: {  	_ =	shalt  }
0x5d: {  	_ =	shalt  }
0x5e: {  	_ =	shalt  }
0x5f: {  	_ =	shalt  }
0x60: {  	_ =	shalt  }
0x61: {  	_ =	shalt  }
0x62: {  	_ =	shalt  }
0x63: {  	_ =	shalt  }
0x64: {  	_ =	shalt  }
0x65: {  	_ =	shalt  }
0x66: {  	_ =	shalt  }
0x67: {  	_ =	shalt  }
0x68: {  	_ =	shalt  }
0x69: {  	_ =	shalt  }
0x6a: {  	_ =	shalt  }
0x6b: {  	_ =	shalt  }
0x6c: {  	_ =	shalt  }
0x6d: {  	_ =	shalt  }
0x6e: {  	_ =	shalt  }
0x6f: {  	_ =	shalt  }
0x70: {  	_ =	shalt  }
0x71: {  	_ =	shalt  }
0x72: {  	_ =	shalt  }
0x73: {  	_ =	shalt  }
0x74: {  	_ =	shalt  }
0x75: {  	_ =	shalt  }
0x76: {  	_ =	shalt  }
0x77: {  	_ =	shalt  }
0x78: {  	_ =	shalt  }
0x79: {  	_ =	shalt  }
0x7a: {  	_ =	shalt  }
0x7b: {  	_ =	shalt  }
0x7c: {  	_ =	shalt  }
0x7d: {  	_ =	shalt  }
0x7e: {  	_ =	shalt  }
0x7f: {  	_ =	shalt  }
0x80: {  	_ =	shalt  }
0x81: {  	_ =	shalt  }
0x82: {  	_ =	shalt  }
0x83: {  	_ =	shalt  }
0x84: {  	_ =	shalt  }
0x85: {  	_ =	shalt  }
0x86: {  	_ =	shalt  }
0x87: {  	_ =	shalt  }
.Lfunc_end0:
.L_simem_size_0:
called_computation.1_lowered:
.L_overlay_start_0:
0x88: {  	s2 =	sld [smem:$0x3FD9]  }
0x89: {  	s3 =	sld [smem:$0x3FFE];
	_ =	sdelay $0x1  }
0x8a: {  	s1 =	srdreg.scid  }
0x8b: {  	s0 =	sand.u32 $0x1, s1  }
0x8c: {  	s17 =	sshll.u32 s0, $0xA;
	s2 =	sadd.s32 s3, s2  }
0x8d: {  	s2 =	sadd.s32 s2, s17  }
0x8e: {  	[smem:$0x3FC2] =	sst s2  }
0x8f: {  	_ = 	snop  }
0x90: {  	s2 =	sld [smem:$0x3FD0];
	(tm) =	ssettm $0x1  }
0x91: {  	s18 =	sld [smem:$0x3FFB];
	_ =	sdelay $0x3  }
0x92: {  	_ =	strace s18  }
0x93: {  	s3 =	sld [smem:$0x3FFC];
	_ =	sdelay $0x3  }
0x94: {  	_ =	strace s3  }
0x95: {  	s3 =	sld [smem:$0x3FFD];
	_ =	sdelay $0x3  }
0x96: {  	_ =	strace s3  }
0x97: {  	_ =	strace $0x8FFFFFFF  }
0x98: {  	s19 =	sld [smem:$0x3FDB];
	_ =	sdelay $0x1  }
0x99: {  	s4 =	simm.s32 $_scs_section_size  }
0x9a: {  	s5 =	simm.s32 $_size__tile_overlayer_lowered;
	s6 =	simm.s32 $_tile_overlayer_lowered  }
0x9b: {  	s22 =	simm.s32 $0x1BFF;
	s21 =	sshll.u32 s6, $0x1;
	s3 =	sadd.s32 s4, s19  }
0x9c: {  	s7 =	simm.s32 $0x0;
	s20 =	sshll.u32 s5, $0x1;
	s5 =	sadd.s32 s21, s3  }
0x9d: {  	[timem:s7], [sflag:s22] =	dma.local [hbm:s5], s20  }
0x9e: {  	_ =	swait.ge [sflag:s22], s20  }
0x9f: {  	s4 =	ssub.s32 $0x0, s20;
	[sflag:s22] =	ssyncset.done $0x0  }
0xa0: {  	[sflag:s22] =	ssyncadd.s32 s4;
	_ =	sdelay $0x1  }
0xa1: {  	s23 =	simm.s32 $0x1B8B  }
0xa2: {  	_ =	swait.ge [sflag:s23], $0x1  }
0xa3: {  	[sflag:s23] =	ssyncset.done $0x0  }
0xa4: {  	s25 =	simm.s32 $0x1B8E;
	s24 =	sld [smem:$0x3FFE];
	[sflag:s23] =	ssyncadd.s32 $0xFFFFFFFF  }
0xa5: {  	s26 =	simm.s32 $execute0_lowered;
	[smem:$0x3FD2] =	sst s25  }
0xa6: {  	s5 =	sshll.u32 s26, $0x1;
	_ =	strace $0x80000049;
	[dreg:$0x1] =	wrdreg $0xFFFFFFFF  }
0xa7: {  	s28 =	simm.s32 $_size_execute0_lowered;
	s3 =	sadd.s32 s3, s5;
	[dreg:$0x0] =	wrdreg $0x0  }
0xa8: {  	s5 =	sshll.u32 s28, $0x1;
	[dreg:$0x2] =	wrdreg s3  }
0xa9: {  	[dreg:$0x3] =	wrdreg s5  }
0xaa: {  	[dreg:$0x4] =	wrdreg $0xC0  }
0xab: {  	_ =	task [dreg:s7], $0x5FFFF  }
0xac: {  	[dreg:$0x1] =	wrdreg $0xFFFFFFFF  }
0xad: {  	[dreg:$0x0] =	wrdreg $0x60  }
0xae: {  	[dreg:$0x2] =	wrdreg s2  }
0xaf: {  	[dreg:$0x3] =	wrdreg s24  }
0xb0: {  	[dreg:$0x4] =	wrdreg $0xDD000  }
0xb1: {  	[dreg:$0x5] =	wrdreg $0x9  }
0xb2: {  	_ =	task.clear_ibuf [dreg:s7], $0x6FFFF;
	_ =	strace $0x90000049  }
0xb3: {  	s29 =	simm.s32 $0x9;
	_ =	strace $0x8000004B  }
0xb4: {  	_ =	swait.ge [sflag:s29], $0x1  }
0xb5: {  	[sflag:s29] =	ssyncadd.s32 $0xFFFFFFFF  }
0xb6: {  	_ =	strace $0x9000004B  }
0xb7: {  	_ =	sfence  }
0xb8: {  	s30 =	sld [smem:$0x0];
	_ =	sdelay $0x2  }
0xb9: {  	s31 =	sshll.u32 s1, $0xD;
	s1 =	sshrl.u32 s1, $0x2  }
0xba: {  	s3 =	sand.u32 $0x4000, s31;
	s1 =	sadd.s32 s1, s30  }
0xbb: {  	s0 =	sor.u32 s3, s0;
	s1 =	sshll.u32 s1, $0x11  }
0xbc: {  	s0 =	sor.u32 s1, s0  }
0xbd: {  	s0 =	sadd.s32 $0x8F2B, s0  }
0xbe: {  	[sflag:s0] =	ssyncadd.remote.s32 $0x1  }
0xbf: {  	_ =	sfence.sel $0xFFFF  }
0xc0: {  	[dreg:$0x0] =	wrdreg $0xFFFFFFFF;
	(pc) =	sbr.abs _section_cstart, $3  }
0xc1: {  	[dreg:$0x1] =	wrdreg $0xFFFFFFFF  }
0xc2: {  	_ =	task.clear_ibuf [dreg:s7], $0x2FFFF;
	_ =	strace $0x9FFFFFFF  }
0xc3: {  	(tm) =	ssettm $0x7FFFFFFF  }
tec
execute0_lowered:
.L_overlay_start_1:
0x0: {  	(tag) =	ssettag $0x1  }
0x1: {  	s8 =	rddreg [dreg:$0x0]  }
0x2: {  	s5 =	rddreg [dreg:$0x1]  }
0x3: {  	s2 =	rddreg [dreg:$0x2]  }
0x4: {  	s0 =	rddreg [dreg:$0x3]  }
0x5: {  	s1 =	stileid.u32;
	s6 =	srdreg.scid;
	s3 =	simm.s32 $0x0  }
0x6: {  	s14 =	simm.s32 $0x1;
	s15 =	simm.s32 $0x2;
	s16 =	simm.s32 $0x80  }
0x7: {  	s17 =	simm.s32 $0x9D00;
	s18 =	simm.s32 $0xBD00;
	s19 =	simm.s32 $0x9C80  }
0x8: {  	s20 =	simm.s32 $0x0;
	s4 =	smul.u32 $0x9D0, s1;
	s6 =	sand.u32 $0x1, s6  }
0x9: {  	s7 =	smul.u32 $0xA000, s1;
	[smem:$0x7FF] =	sst s3;
	s31 =	sshll.u32 s1, $0x6  }
0xa: {  	s9 =	smul.u32 $0xA0000, s6;
	_ =	strace $0x8000004A;
	s11 =	ssub.s32 $0x2, s6  }
0xb: {  	s30 =	smul.u32 $0x13880, s6;
	s10 =	sadd.s32 s4, s5;
	s4 =	sadd.s32 $0x64200, s5  }
0xc: {  	s12 =	sshrl.u32 s11, $0x1;
	s13 =	sadd.s32 s7, s2;
	s9 =	sadd.s32 s7, s9  }
0xd: {  	s11 =	ssub.s32 s11, s12;
	s6 =	sadd.s32 $0x1800, s10;
	s7 =	sor.u32 $0x1C03, s31  }
0xe: {  	s8 =	sadd.s32 s8, s30;
	s12 =	sshrl.u32 s13, $0x3;
	s9 =	sshrl.u32 s9, $0x3  }
0xf: {  	s13 =	simm.s32 $0x3;
	s9 =	sadd.s32 s9, s5;
	s5 =	sadd.s32 $0xC200, s10  }
0x10: {  	s10 =	smax.u32 s11, $0x1;
	s11 =	simm.s32 $0x4E80;
	s9 =	sadd.s32 $0x65600, s9  }
.LBB2_1:
0x11: {  	[tilespmem:s3], [sflag:$0x1] =	stream.linear.gather [hbm4b:s5+s3], $0x4E80, $0x38;
	[tilespmem:$0x17D00] =	vst v63  }
0x12: {  	_ = 	snop  }
0x13: {  	[tilespmem:s11], [sflag:$0x2] =	stream.linear.gather [hbm4b:s6+s3], $0x4E80, $0x38;
	[tilespmem:$0x17D00] =	vst v63  }
0x14: {  	[spmem:s12], [sflag:s7] =	dma.local [hbm:s4], $0x1400  }
0x15: {  	_ =	swait.ge [sflag:s13], $0x1400  }
0x16: {  	[sflag:s13] =	ssyncset.done $0x0  }
0x17: {  	[sflag:s13] =	ssyncadd.s32 $0xFFFFEC00  }
0x18: {  	_ =	swait.ge [sflag:s14], $0x4E80  }
0x19: {  	[sflag:s14] =	ssyncset.done $0x0  }
0x1a: {  	[sflag:s14] =	ssyncadd.s32 $0xFFFFB180  }
0x1b: {  	_ =	swait.ge [sflag:s15], $0x4E80  }
0x1c: {  	[sflag:s15] =	ssyncset.done $0x0  }
0x1d: {  	[sflag:s15] =	ssyncadd.s32 $0xFFFFB180  }
0x1e: {  	[bflag:$0x0] =	sbarrier.arrive $0xFFFF  }
0x1f: {  	[tilespmem:s17], [sflag:$0x1] =	stream.indirect.gather [hbm4b:s8+s16], $0x40, s3, s16, $0xb8;
	[tilespmem:$0x17D00] =	vst v63  }
0x20: {  	_ =	swait.ge [sflag:s14], $0x2000  }
0x21: {  	[sflag:s14] =	ssyncset.done $0x0  }
0x22: {  	s21 =	simm.s32 $0x80;
	[sflag:s14] =	ssyncadd.s32 $0xFFFFE000  }
0x23: {  	[tilespmem:s18], [sflag:$0x2] =	stream.indirect.gather [hbm4b:s8+s16], $0x40, s21, s16, $0xb8;
	[tilespmem:$0x17D00] =	vst v63  }
0x24: {  	s29 =	simm.s32 $0x4E80  }
0x25: {  	[spmem:s2] =	stream.indirect.scatter.add.f32 [tilespmem:s17], [sflag:$0x3], $0x40, s29, s16, $0xb8;
	[tilespmem:$0x17D00] =	vst v63  }
0x26: {  	_ =	swait.ge [sflag:s13], $0x2000  }
0x27: {  	[sflag:s13] =	ssyncset.done $0x0  }
0x28: {  	[sflag:s13] =	ssyncadd.s32 $0xFFFFE000  }
0x29: {  	_ =	swait.ge [sflag:s15], $0x2000  }
0x2a: {  	[sflag:s15] =	ssyncset.done $0x0  }
0x2b: {  	s30 =	simm.s32 $0x100;
	[sflag:s15] =	ssyncadd.s32 $0xFFFFE000  }
0x2c: {  	[tilespmem:s17], [sflag:$0x1] =	stream.indirect.gather [hbm4b:s8+s16], $0x40, s30, s16, $0xb8;
	[tilespmem:$0x17D00] =	vst v63  }
0x2d: {  	s31 =	simm.s32 $0x4F00  }
0x2e: {  	[spmem:s2] =	stream.indirect.scatter.add.f32 [tilespmem:s18], [sflag:$0x3], $0x40, s31, s16, $0xb8;
	[tilespmem:$0x17D00] =	vst v63  }
0x2f: {  	_ =	swait.ge [sflag:s13], $0x2000  }
0x30: {  	s21 =	simm.s32 $0x400;
	[sflag:s13] =	ssyncset.done $0x0  }
.LBB2_2:
0x31: {  	p0 =	sne.s32 s21, $0x13400  }
0x32: {  	[sflag:s13] =	ssyncadd.s32 $0xFFFFE000;
	s22 =	smov.u32 s21;
	s21 =	sadd.s32 $0x400, s21  }
0x33: {  	_ = 	snop  }
0x34: {  	_ =	swait.ge [sflag:s14], $0x2000  }
0x35: {  	s22 =	sshra.s32 s22, $0x2;
	[sflag:s14] =	ssyncset.done $0x0  }
0x36: {  	s23 =	sadd.s32 $0x80, s22;
	[sflag:s14] =	ssyncadd.s32 $0xFFFFE000  }
0x37: {  	[tilespmem:s18], [sflag:$0x2] =	stream.indirect.gather [hbm4b:s8+s16], $0x40, s23, s16, $0xb8;
	[tilespmem:$0x17D00] =	vst v63  }
0x38: {  	s23 =	sadd.s32 $0x4E80, s22  }
0x39: {  	[spmem:s2] =	stream.indirect.scatter.add.f32 [tilespmem:s17], [sflag:$0x3], $0x40, s23, s16, $0xb8;
	[tilespmem:$0x17D00] =	vst v63  }
0x3a: {  	_ =	swait.ge [sflag:s13], $0x2000  }
0x3b: {  	[sflag:s13] =	ssyncset.done $0x0  }
0x3c: {  	[sflag:s13] =	ssyncadd.s32 $0xFFFFE000  }
0x3d: {  	_ =	swait.ge [sflag:s15], $0x2000  }
0x3e: {  	[sflag:s15] =	ssyncset.done $0x0  }
0x3f: {  	s23 =	sadd.s32 $0x100, s22;
	[sflag:s15] =	ssyncadd.s32 $0xFFFFE000  }
0x40: {  	[tilespmem:s17], [sflag:$0x1] =	stream.indirect.gather [hbm4b:s8+s16], $0x40, s23, s16, $0xb8;
	[tilespmem:$0x17D00] =	vst v63  }
.Ltmp0:
0x41: {  	_ = 	snop;
	(pc) =	sbr.rel @p0 .LBB2_2-.Ltmp0, $4  }
0x42: {  	s22 =	sadd.s32 $0x4F00, s22  }
0x43: {  	[spmem:s2] =	stream.indirect.scatter.add.f32 [tilespmem:s18], [sflag:$0x3], $0x40, s22, s16, $0xb8;
	[tilespmem:$0x17D00] =	vst v63  }
0x44: {  	_ =	swait.ge [sflag:s13], $0x2000  }
0x45: {  	[sflag:s13] =	ssyncset.done $0x0  }
0x46: {  	[sflag:s13] =	ssyncadd.s32 $0xFFFFE000  }
0x47: {  	_ =	swait.ge [sflag:s14], $0x2000  }
0x48: {  	[sflag:s14] =	ssyncset.done $0x0  }
0x49: {  	[sflag:s14] =	ssyncadd.s32 $0xFFFFE000  }
0x4a: {  	[spmem:s2] =	stream.indirect.scatter.add.f32 [tilespmem:s17], [sflag:$0x3], $0x40, s19, s16, $0xb8;
	[tilespmem:$0x17D00] =	vst v63  }
0x4b: {  	_ =	swait.ge [sflag:s13], $0x2000  }
0x4c: {  	s20 =	sadd.s32 $0x1, s20;
	[sflag:s13] =	ssyncset.done $0x0  }
0x4d: {  	p0 =	sne.s32 s20, s10;
	[sflag:s13] =	ssyncadd.s32 $0xFFFFE000  }
.Ltmp1:
0x4e: {  	[bflag:$0x0] =	sbarrier.arrive $0xFFFF;
	(pc) =	sbr.rel @p0 .LBB2_1-.Ltmp1, $4  }
0x4f: {  	[hbm:s9], [sflag:s7] =	dma.local [spmem:s12], $0x1400  }
0x50: {  	_ =	swait.ge [sflag:s13], $0x1400  }
0x51: {  	[sflag:s13] =	ssyncset.done $0x0  }
0x52: {  	[sflag:s13] =	ssyncadd.s32 $0xFFFFEC00  }
0x53: {  	_ =	sfence.sel $0x180000  }
0x54: {  	[bflag:$0x0] =	sbarrier.arrive $0xFFFF  }
0x55: {  	p0 =	sne.s32 s1, $0x0;
	_ =	strace $0x9000004A  }
0x56: {  	s0 =	sadd.s32 @!p0 $0x100000, s0;
	[bflag:$0x2] =	sbarrier.arrive $0xFFFF  }
0x57: {  	[sflag:s0] =	ssyncadd.tile.s32 @!p0 $0x1;
	_ =	shalt  }
.Lfunc_end2:
_tile_overlayer_lowered:
.L_overlay_start_2:
0x58: {  	(tag) =	ssettag $0x2  }
0x59: {  	s0 =	rddreg [dreg:$0x0];
	s2 =	stileid.u32  }
0x5a: {  	s1 =	rddreg [dreg:$0x1];
	p0 =	sne.s32 s2, $0x0  }
0x5b: {  	s3 =	rddreg [dreg:$0x2];
	[bflag:$0x3] =	sbarrier.arrive $0xFFFF;
	s2 =	simm.s32 @!p0 $0x1C03  }
0x5c: {  	[timem:s3], [sflag:s2] =	dma.local @!p0 [hbm:s0], s1  }
0x5d: {  	s0 =	simm.s32 @!p0 $0x3  }
0x5e: {  	_ =	swait.ge @!p0 [sflag:s0], s1  }
0x5f: {  	s1 =	ssub.s32 @!p0 $0x0, s1;
	[sflag:s0] =	ssyncset.done @!p0 $0x0  }
0x60: {  	[sflag:s0] =	ssyncadd.s32 @!p0 s1  }
0x61: {  	[bflag:$0x3] =	sbarrier.arrive $0xFFFF  }
0x62: {  	_ =	shalt  }

// kernel: kernel.15.cloned.1.call-start
scs
__scs_entry_jumppad:
0x0: {  	(pc) =	sbr.rel $0x88, $3  }
0x1: {  	(tag) =	ssettag $0x0;
	lr =	simm.s32 $0x1  }
0x2: {  	[smem:$0x3F9B] =	sst lr;
	_ =	strace $0xD0000000  }
0x3: {  	_ = 	snop  }
0x4: {  	_ = 	snop  }
0x5: {  	_ = 	snop  }
0x6: {  	_ = 	snop  }
0x7: {  	_ = 	snop  }
__scs_overlays_trampoline_lowered:
0x8: {  	[smem:$0x3FAA] =	sst s0  }
0x9: {  	[smem:$0x3FAB] =	sst s1  }
0xa: {  	[smem:$0x3FAC] =	sst s2  }
0xb: {  	[smem:$0x3FAD] =	sst s3  }
0xc: {  	[smem:$0x3FAE] =	sst s4  }
0xd: {  	[smem:$0x3FAF] =	sst s5  }
0xe: {  	[smem:$0x3FB0] =	sst s6  }
0xf: {  	[smem:$0x3FB1] =	sst s7  }
0x10: {  	[smem:$0x3FB2] =	sst s8  }
0x11: {  	[smem:$0x3FB3] =	sst s9;
	s0 =	simm.s32 @!p0 $0x0  }
0x12: {  	s1 =	sld [smem:$0x3F99];
	s0 =	simm.s32 @p0 $0x1  }
0x13: {  	[smem:$0x3FB4] =	sst s0;
	s0 =	simm.s32 @!p1 $0x0  }
0x14: {  	s2 =	sld [smem:$0x3F98];
	s0 =	simm.s32 @p1 $0x1  }
0x15: {  	[smem:$0x3FB5] =	sst s0;
	s0 =	simm.s32 @!p2 $0x0  }
0x16: {  	s3 =	sld [smem:$0x3FDB];
	s0 =	simm.s32 @p2 $0x1  }
0x17: {  	s4 =	simm.s32 $0x1BF5;
	[smem:$0x3FB7] =	sst s0  }
0x18: {  	s0 =	sld [smem:$0x3F9A];
	_ =	swait.ge [sflag:s4], $0x0  }
0x19: {  	s7 =	sld [smem:$0x3F9B]  }
0x1a: {  	s8 =	sadd.s32 $0xFFFFE003, lr  }
0x1b: {  	s9 =	sadd.s32 $0xFFFFFEF7, lr;
	s5 =	simm.s32 $0xFFFFFFFF;
	p2 =	slt.u32 s8, $0xFFFFF086  }
0x1c: {  	p1 =	slt.u32 s9, $0xF7A;
	s5 =	simm.s32 @!p2 $0x0  }
0x1d: {  	s5 =	simm.s32 @p1 $0x1;
	p0 =	seq.s32 s7, s2  }
0x1e: {  	s7 =	smul.u32 @!p0 $0xF7A, s2;
	p2 =	seq.s32 @!p0 s5, $0x0  }
0x1f: {  	s9 =	smul.u32 $0xF7A, s1;
	s8 =	simm.s32 @!p0 $0x1BF5;
	p2 =	por !p2, p0  }
0x20: {  	[sflag:s8] =	ssyncset.s32 @!p0 $0xFFFFF086;
	s6 =	sadd.s32 @!p0 s3, s7;
	s7 =	simm.s32 @!p0 $0x108  }
0x21: {  	s3 =	sadd.s32 s3, s9;
	s6 =	sadd.s32 @!p0 $0x88, s6;
	s7 =	simm.s32 @p2 $0x1082  }
0x22: {  	[simem:s7], [sflag:s8] =	dma.local @!p0 [hbm:s6], $0xF7A  }
0x23: {  	s9 =	sor.u32 $0xD0000000, s2;
	s6 =	simm.s32 $0x108;
	_ =	swait.ge @!p0 [sflag:s8], $0x0  }
0x24: {  	s3 =	sadd.s32 $0x88, s3;
	s6 =	simm.s32 @!p1 $0x1082;
	[sflag:s4] =	ssyncset.s32 $0xFFFFF086  }
0x25: {  	[simem:s6], [sflag:s4] =	dma.local [hbm:s3], $0xF7A  }
0x26: {  	[smem:$0x3F9B] =	sst s1;
	(tag) =	ssettag s2;
	_ =	strace s9  }
0x27: {  	s1 =	sld [smem:$0x3FAB]  }
0x28: {  	s2 =	sld [smem:$0x3FAC]  }
0x29: {  	s4 =	sld [smem:$0x3FAE]  }
0x2a: {  	p0 =	seq.s32 s5, $0x0;
	s5 =	sld [smem:$0x3FAF]  }
0x2b: {  	s6 =	sld [smem:$0x3FB0]  }
0x2c: {  	s7 =	sld [smem:$0x3FB1]  }
0x2d: {  	s3 =	simm.s32 $0x108;
	s8 =	sld [smem:$0x3FB2]  }
0x2e: {  	s3 =	simm.s32 @!p0 $0x1082;
	s9 =	sld [smem:$0x3FB3]  }
0x2f: {  	lr =	sadd.s32 s0, s3;
	s0 =	sld [smem:$0x3FAA]  }
0x30: {  	s3 =	sld [smem:$0x3FAD]  }
0x31: {  	[smem:$0x3FB6] =	sst s10  }
0x32: {  	s10 =	sld [smem:$0x3FB4];
	_ =	sdelay $0x3  }
0x33: {  	p0 =	seq.s32 s10, $0x1;
	s10 =	sld [smem:$0x3FB6];
	_ =	sdelay $0x3  }
0x34: {  	[smem:$0x3FB6] =	sst s10  }
0x35: {  	s10 =	sld [smem:$0x3FB5];
	_ =	sdelay $0x3  }
0x36: {  	p1 =	seq.s32 s10, $0x1;
	s10 =	sld [smem:$0x3FB6];
	_ =	sdelay $0x3  }
0x37: {  	[smem:$0x3FB6] =	sst s10  }
0x38: {  	s10 =	sld [smem:$0x3FB7]  }
0x39: {  	_ = 	snop;
	(pc) =	sbr.ind lr, $3  }
0x3a: {  	_ = 	snop  }
0x3b: {  	_ = 	snop  }
0x3c: {  	p2 =	seq.s32 s10, $0x1;
	s10 =	sld [smem:$0x3FB6]  }
0x3d: {  	_ =	shalt  }
0x3e: {  	_ =	shalt  }
0x3f: {  	_ =	shalt  }
0x40: {  	_ =	shalt  }
0x41: {  	_ =	shalt  }
0x42: {  	_ =	shalt  }
0x43: {  	_ =	shalt  }
0x44: {  	_ =	shalt  }
0x45: {  	_ =	shalt  }
0x46: {  	_ =	shalt  }
0x47: {  	_ =	shalt  }
0x48: {  	_ =	shalt  }
0x49: {  	_ =	shalt  }
0x4a: {  	_ =	shalt  }
0x4b: {  	_ =	shalt  }
0x4c: {  	_ =	shalt  }
0x4d: {  	_ =	shalt  }
0x4e: {  	_ =	shalt  }
0x4f: {  	_ =	shalt  }
0x50: {  	_ =	shalt  }
0x51: {  	_ =	shalt  }
0x52: {  	_ =	shalt  }
0x53: {  	_ =	shalt  }
0x54: {  	_ =	shalt  }
0x55: {  	_ =	shalt  }
0x56: {  	_ =	shalt  }
0x57: {  	_ =	shalt  }
0x58: {  	_ =	shalt  }
0x59: {  	_ =	shalt  }
0x5a: {  	_ =	shalt  }
0x5b: {  	_ =	shalt  }
0x5c: {  	_ =	shalt  }
0x5d: {  	_ =	shalt  }
0x5e: {  	_ =	shalt  }
0x5f: {  	_ =	shalt  }
0x60: {  	_ =	shalt  }
0x61: {  	_ =	shalt  }
0x62: {  	_ =	shalt  }
0x63: {  	_ =	shalt  }
0x64: {  	_ =	shalt  }
0x65: {  	_ =	shalt  }
0x66: {  	_ =	shalt  }
0x67: {  	_ =	shalt  }
0x68: {  	_ =	shalt  }
0x69: {  	_ =	shalt  }
0x6a: {  	_ =	shalt  }
0x6b: {  	_ =	shalt  }
0x6c: {  	_ =	shalt  }
0x6d: {  	_ =	shalt  }
0x6e: {  	_ =	shalt  }
0x6f: {  	_ =	shalt  }
0x70: {  	_ =	shalt  }
0x71: {  	_ =	shalt  }
0x72: {  	_ =	shalt  }
0x73: {  	_ =	shalt  }
0x74: {  	_ =	shalt  }
0x75: {  	_ =	shalt  }
0x76: {  	_ =	shalt  }
0x77: {  	_ =	shalt  }
0x78: {  	_ =	shalt  }
0x79: {  	_ =	shalt  }
0x7a: {  	_ =	shalt  }
0x7b: {  	_ =	shalt  }
0x7c: {  	_ =	shalt  }
0x7d: {  	_ =	shalt  }
0x7e: {  	_ =	shalt  }
0x7f: {  	_ =	shalt  }
0x80: {  	_ =	shalt  }
0x81: {  	_ =	shalt  }
0x82: {  	_ =	shalt  }
0x83: {  	_ =	shalt  }
0x84: {  	_ =	shalt  }
0x85: {  	_ =	shalt  }
0x86: {  	_ =	shalt  }
0x87: {  	_ =	shalt  }
.Lfunc_end0:
.L_simem_size_0:
called_computation.2_lowered:
.L_overlay_start_0:
0x88: {  	s2 =	sld [smem:$0x3FD9]  }
0x89: {  	s3 =	sld [smem:$0x3FFE];
	_ =	sdelay $0x1  }
0x8a: {  	s1 =	srdreg.scid  }
0x8b: {  	s0 =	sand.u32 $0x1, s1  }
0x8c: {  	s17 =	sshll.u32 s0, $0xA;
	s2 =	sadd.s32 s3, s2  }
0x8d: {  	s2 =	sadd.s32 s2, s17  }
0x8e: {  	[smem:$0x3FC2] =	sst s2  }
0x8f: {  	_ = 	snop  }
0x90: {  	s2 =	sld [smem:$0x3FD0];
	(tm) =	ssettm $0x1  }
0x91: {  	s18 =	sld [smem:$0x3FFB];
	_ =	sdelay $0x3  }
0x92: {  	_ =	strace s18  }
0x93: {  	s3 =	sld [smem:$0x3FFC];
	_ =	sdelay $0x3  }
0x94: {  	_ =	strace s3  }
0x95: {  	s3 =	sld [smem:$0x3FFD];
	_ =	sdelay $0x3  }
0x96: {  	_ =	strace s3  }
0x97: {  	_ =	strace $0x8FFFFFFF  }
0x98: {  	s19 =	sld [smem:$0x3FDB];
	_ =	sdelay $0x1  }
0x99: {  	s4 =	simm.s32 $_scs_section_size  }
0x9a: {  	s5 =	simm.s32 $_size__tile_overlayer_lowered;
	s6 =	simm.s32 $_tile_overlayer_lowered  }
0x9b: {  	s22 =	simm.s32 $0x1BFF;
	s21 =	sshll.u32 s6, $0x1;
	s3 =	sadd.s32 s4, s19  }
0x9c: {  	s7 =	simm.s32 $0x0;
	s20 =	sshll.u32 s5, $0x1;
	s5 =	sadd.s32 s21, s3  }
0x9d: {  	[timem:s7], [sflag:s22] =	dma.local [hbm:s5], s20  }
0x9e: {  	_ =	swait.ge [sflag:s22], s20  }
0x9f: {  	s4 =	ssub.s32 $0x0, s20;
	[sflag:s22] =	ssyncset.done $0x0  }
0xa0: {  	[sflag:s22] =	ssyncadd.s32 s4;
	_ =	sdelay $0x1  }
0xa1: {  	s23 =	simm.s32 $0x1B8B  }
0xa2: {  	_ =	swait.ge [sflag:s23], $0x1  }
0xa3: {  	[sflag:s23] =	ssyncset.done $0x0  }
0xa4: {  	s25 =	simm.s32 $0x1B8E;
	s24 =	sld [smem:$0x3FFE];
	[sflag:s23] =	ssyncadd.s32 $0xFFFFFFFF  }
0xa5: {  	s26 =	simm.s32 $execute0_lowered;
	[smem:$0x3FD2] =	sst s25  }
0xa6: {  	s5 =	sshll.u32 s26, $0x1;
	_ =	strace $0x8000004C;
	[dreg:$0x1] =	wrdreg $0xFFFFFFFF  }
0xa7: {  	s28 =	simm.s32 $_size_execute0_lowered;
	s3 =	sadd.s32 s3, s5;
	[dreg:$0x0] =	wrdreg $0x0  }
0xa8: {  	s5 =	sshll.u32 s28, $0x1;
	[dreg:$0x2] =	wrdreg s3  }
0xa9: {  	[dreg:$0x3] =	wrdreg s5  }
0xaa: {  	[dreg:$0x4] =	wrdreg $0xC0  }
0xab: {  	_ =	task [dreg:s7], $0x5FFFF  }
0xac: {  	[dreg:$0x1] =	wrdreg $0xFFFFFFFF  }
0xad: {  	[dreg:$0x0] =	wrdreg $0x60  }
0xae: {  	[dreg:$0x2] =	wrdreg s2  }
0xaf: {  	[dreg:$0x3] =	wrdreg s24  }
0xb0: {  	[dreg:$0x4] =	wrdreg $0xDD000  }
0xb1: {  	[dreg:$0x5] =	wrdreg $0x9  }
0xb2: {  	_ =	task.clear_ibuf [dreg:s7], $0x6FFFF;
	_ =	strace $0x9000004C  }
0xb3: {  	s29 =	simm.s32 $0x9;
	_ =	strace $0x8000004E  }
0xb4: {  	_ =	swait.ge [sflag:s29], $0x1  }
0xb5: {  	[sflag:s29] =	ssyncadd.s32 $0xFFFFFFFF  }
0xb6: {  	_ =	strace $0x9000004E  }
0xb7: {  	_ =	sfence  }
0xb8: {  	s30 =	sld [smem:$0x0];
	_ =	sdelay $0x2  }
0xb9: {  	s31 =	sshll.u32 s1, $0xD;
	s1 =	sshrl.u32 s1, $0x2  }
0xba: {  	s3 =	sand.u32 $0x4000, s31;
	s1 =	sadd.s32 s1, s30  }
0xbb: {  	s0 =	sor.u32 s3, s0;
	s1 =	sshll.u32 s1, $0x11  }
0xbc: {  	s0 =	sor.u32 s1, s0  }
0xbd: {  	s0 =	sadd.s32 $0x8F2B, s0  }
0xbe: {  	[sflag:s0] =	ssyncadd.remote.s32 $0x1  }
0xbf: {  	_ =	sfence.sel $0xFFFF  }
0xc0: {  	[dreg:$0x0] =	wrdreg $0xFFFFFFFF;
	(pc) =	sbr.abs _section_cstart, $3  }
0xc1: {  	[dreg:$0x1] =	wrdreg $0xFFFFFFFF  }
0xc2: {  	_ =	task.clear_ibuf [dreg:s7], $0x2FFFF;
	_ =	strace $0x9FFFFFFF  }
0xc3: {  	(tm) =	ssettm $0x7FFFFFFF  }
tec
execute0_lowered:
.L_overlay_start_1:
0x0: {  	(tag) =	ssettag $0x1  }
0x1: {  	s8 =	rddreg [dreg:$0x0]  }
0x2: {  	s5 =	rddreg [dreg:$0x1]  }
0x3: {  	s2 =	rddreg [dreg:$0x2]  }
0x4: {  	s0 =	rddreg [dreg:$0x3]  }
0x5: {  	s1 =	stileid.u32;
	s6 =	srdreg.scid;
	s3 =	simm.s32 $0x0  }
0x6: {  	s14 =	simm.s32 $0x1;
	s15 =	simm.s32 $0x2;
	s16 =	simm.s32 $0x80  }
0x7: {  	s17 =	simm.s32 $0x9D00;
	s18 =	simm.s32 $0xBD00;
	s19 =	simm.s32 $0x9C80  }
0x8: {  	s20 =	simm.s32 $0x0;
	s4 =	smul.u32 $0x9D0, s1;
	s6 =	sand.u32 $0x1, s6  }
0x9: {  	s7 =	smul.u32 $0xA000, s1;
	[smem:$0x7FF] =	sst s3;
	s31 =	sshll.u32 s1, $0x6  }
0xa: {  	s9 =	smul.u32 $0xA0000, s6;
	_ =	strace $0x8000004D;
	s11 =	ssub.s32 $0x2, s6  }
0xb: {  	s30 =	smul.u32 $0x13880, s6;
	s10 =	sadd.s32 s4, s5;
	s4 =	sadd.s32 $0x64200, s5  }
0xc: {  	s12 =	sshrl.u32 s11, $0x1;
	s13 =	sadd.s32 s7, s2;
	s9 =	sadd.s32 s7, s9  }
0xd: {  	s11 =	ssub.s32 s11, s12;
	s6 =	sadd.s32 $0x1800, s10;
	s7 =	sor.u32 $0x1C03, s31  }
0xe: {  	s8 =	sadd.s32 s8, s30;
	s12 =	sshrl.u32 s13, $0x3;
	s9 =	sshrl.u32 s9, $0x3  }
0xf: {  	s13 =	simm.s32 $0x3;
	s9 =	sadd.s32 s9, s5;
	s5 =	sadd.s32 $0xC200, s10  }
0x10: {  	s10 =	smax.u32 s11, $0x1;
	s11 =	simm.s32 $0x4E80;
	s9 =	sadd.s32 $0x16000, s9  }
.LBB2_1:
0x11: {  	[tilespmem:s3], [sflag:$0x1] =	stream.linear.gather [hbm4b:s5+s3], $0x4E80, $0x38;
	[tilespmem:$0x17D00] =	vst v63  }
0x12: {  	_ = 	snop  }
0x13: {  	[tilespmem:s11], [sflag:$0x2] =	stream.linear.gather [hbm4b:s6+s3], $0x4E80, $0x38;
	[tilespmem:$0x17D00] =	vst v63  }
0x14: {  	[spmem:s12], [sflag:s7] =	dma.local [hbm:s4], $0x1400  }
0x15: {  	_ =	swait.ge [sflag:s13], $0x1400  }
0x16: {  	[sflag:s13] =	ssyncset.done $0x0  }
0x17: {  	[sflag:s13] =	ssyncadd.s32 $0xFFFFEC00  }
0x18: {  	_ =	swait.ge [sflag:s14], $0x4E80  }
0x19: {  	[sflag:s14] =	ssyncset.done $0x0  }
0x1a: {  	[sflag:s14] =	ssyncadd.s32 $0xFFFFB180  }
0x1b: {  	_ =	swait.ge [sflag:s15], $0x4E80  }
0x1c: {  	[sflag:s15] =	ssyncset.done $0x0  }
0x1d: {  	[sflag:s15] =	ssyncadd.s32 $0xFFFFB180  }
0x1e: {  	[bflag:$0x0] =	sbarrier.arrive $0xFFFF  }
0x1f: {  	[tilespmem:s17], [sflag:$0x1] =	stream.indirect.gather [hbm4b:s8+s16], $0x40, s3, s16, $0xb8;
	[tilespmem:$0x17D00] =	vst v63  }
0x20: {  	_ =	swait.ge [sflag:s14], $0x2000  }
0x21: {  	[sflag:s14] =	ssyncset.done $0x0  }
0x22: {  	s21 =	simm.s32 $0x80;
	[sflag:s14] =	ssyncadd.s32 $0xFFFFE000  }
0x23: {  	[tilespmem:s18], [sflag:$0x2] =	stream.indirect.gather [hbm4b:s8+s16], $0x40, s21, s16, $0xb8;
	[tilespmem:$0x17D00] =	vst v63  }
0x24: {  	s29 =	simm.s32 $0x4E80  }
0x25: {  	[spmem:s2] =	stream.indirect.scatter.add.f32 [tilespmem:s17], [sflag:$0x3], $0x40, s29, s16, $0xb8;
	[tilespmem:$0x17D00] =	vst v63  }
0x26: {  	_ =	swait.ge [sflag:s13], $0x2000  }
0x27: {  	[sflag:s13] =	ssyncset.done $0x0  }
0x28: {  	[sflag:s13] =	ssyncadd.s32 $0xFFFFE000  }
0x29: {  	_ =	swait.ge [sflag:s15], $0x2000  }
0x2a: {  	[sflag:s15] =	ssyncset.done $0x0  }
0x2b: {  	s30 =	simm.s32 $0x100;
	[sflag:s15] =	ssyncadd.s32 $0xFFFFE000  }
0x2c: {  	[tilespmem:s17], [sflag:$0x1] =	stream.indirect.gather [hbm4b:s8+s16], $0x40, s30, s16, $0xb8;
	[tilespmem:$0x17D00] =	vst v63  }
0x2d: {  	s31 =	simm.s32 $0x4F00  }
0x2e: {  	[spmem:s2] =	stream.indirect.scatter.add.f32 [tilespmem:s18], [sflag:$0x3], $0x40, s31, s16, $0xb8;
	[tilespmem:$0x17D00] =	vst v63  }
0x2f: {  	_ =	swait.ge [sflag:s13], $0x2000  }
0x30: {  	s21 =	simm.s32 $0x400;
	[sflag:s13] =	ssyncset.done $0x0  }
.LBB2_2:
0x31: {  	p0 =	sne.s32 s21, $0x13400  }
0x32: {  	[sflag:s13] =	ssyncadd.s32 $0xFFFFE000;
	s22 =	smov.u32 s21;
	s21 =	sadd.s32 $0x400, s21  }
0x33: {  	_ = 	snop  }
0x34: {  	_ =	swait.ge [sflag:s14], $0x2000  }
0x35: {  	s22 =	sshra.s32 s22, $0x2;
	[sflag:s14] =	ssyncset.done $0x0  }
0x36: {  	s23 =	sadd.s32 $0x80, s22;
	[sflag:s14] =	ssyncadd.s32 $0xFFFFE000  }
0x37: {  	[tilespmem:s18], [sflag:$0x2] =	stream.indirect.gather [hbm4b:s8+s16], $0x40, s23, s16, $0xb8;
	[tilespmem:$0x17D00] =	vst v63  }
0x38: {  	s23 =	sadd.s32 $0x4E80, s22  }
0x39: {  	[spmem:s2] =	stream.indirect.scatter.add.f32 [tilespmem:s17], [sflag:$0x3], $0x40, s23, s16, $0xb8;
	[tilespmem:$0x17D00] =	vst v63  }
0x3a: {  	_ =	swait.ge [sflag:s13], $0x2000  }
0x3b: {  	[sflag:s13] =	ssyncset.done $0x0  }
0x3c: {  	[sflag:s13] =	ssyncadd.s32 $0xFFFFE000  }
0x3d: {  	_ =	swait.ge [sflag:s15], $0x2000  }
0x3e: {  	[sflag:s15] =	ssyncset.done $0x0  }
0x3f: {  	s23 =	sadd.s32 $0x100, s22;
	[sflag:s15] =	ssyncadd.s32 $0xFFFFE000  }
0x40: {  	[tilespmem:s17], [sflag:$0x1] =	stream.indirect.gather [hbm4b:s8+s16], $0x40, s23, s16, $0xb8;
	[tilespmem:$0x17D00] =	vst v63  }
.Ltmp0:
0x41: {  	_ = 	snop;
	(pc) =	sbr.rel @p0 .LBB2_2-.Ltmp0, $4  }
0x42: {  	s22 =	sadd.s32 $0x4F00, s22  }
0x43: {  	[spmem:s2] =	stream.indirect.scatter.add.f32 [tilespmem:s18], [sflag:$0x3], $0x40, s22, s16, $0xb8;
	[tilespmem:$0x17D00] =	vst v63  }
0x44: {  	_ =	swait.ge [sflag:s13], $0x2000  }
0x45: {  	[sflag:s13] =	ssyncset.done $0x0  }
0x46: {  	[sflag:s13] =	ssyncadd.s32 $0xFFFFE000  }
0x47: {  	_ =	swait.ge [sflag:s14], $0x2000  }
0x48: {  	[sflag:s14] =	ssyncset.done $0x0  }
0x49: {  	[sflag:s14] =	ssyncadd.s32 $0xFFFFE000  }
0x4a: {  	[spmem:s2] =	stream.indirect.scatter.add.f32 [tilespmem:s17], [sflag:$0x3], $0x40, s19, s16, $0xb8;
	[tilespmem:$0x17D00] =	vst v63  }
0x4b: {  	_ =	swait.ge [sflag:s13], $0x2000  }
0x4c: {  	s20 =	sadd.s32 $0x1, s20;
	[sflag:s13] =	ssyncset.done $0x0  }
0x4d: {  	p0 =	sne.s32 s20, s10;
	[sflag:s13] =	ssyncadd.s32 $0xFFFFE000  }
.Ltmp1:
0x4e: {  	[bflag:$0x0] =	sbarrier.arrive $0xFFFF;
	(pc) =	sbr.rel @p0 .LBB2_1-.Ltmp1, $4  }
0x4f: {  	[hbm:s9], [sflag:s7] =	dma.local [spmem:s12], $0x1400  }
0x50: {  	_ =	swait.ge [sflag:s13], $0x1400  }
0x51: {  	[sflag:s13] =	ssyncset.done $0x0  }
0x52: {  	[sflag:s13] =	ssyncadd.s32 $0xFFFFEC00  }
0x53: {  	_ =	sfence.sel $0x180000  }
0x54: {  	[bflag:$0x0] =	sbarrier.arrive $0xFFFF  }
0x55: {  	p0 =	sne.s32 s1, $0x0;
	_ =	strace $0x9000004D  }
0x56: {  	s0 =	sadd.s32 @!p0 $0x100000, s0;
	[bflag:$0x2] =	sbarrier.arrive $0xFFFF  }
0x57: {  	[sflag:s0] =	ssyncadd.tile.s32 @!p0 $0x1;
	_ =	shalt  }
.Lfunc_end2:
_tile_overlayer_lowered:
.L_overlay_start_2:
0x58: {  	(tag) =	ssettag $0x2  }
0x59: {  	s0 =	rddreg [dreg:$0x0];
	s2 =	stileid.u32  }
0x5a: {  	s1 =	rddreg [dreg:$0x1];
	p0 =	sne.s32 s2, $0x0  }
0x5b: {  	s3 =	rddreg [dreg:$0x2];
	[bflag:$0x3] =	sbarrier.arrive $0xFFFF;
	s2 =	simm.s32 @!p0 $0x1C03  }
0x5c: {  	[timem:s3], [sflag:s2] =	dma.local @!p0 [hbm:s0], s1  }
0x5d: {  	s0 =	simm.s32 @!p0 $0x3  }
0x5e: {  	_ =	swait.ge @!p0 [sflag:s0], s1  }
0x5f: {  	s1 =	ssub.s32 @!p0 $0x0, s1;
	[sflag:s0] =	ssyncset.done @!p0 $0x0  }
0x60: {  	[sflag:s0] =	ssyncadd.s32 @!p0 s1  }
0x61: {  	[bflag:$0x3] =	sbarrier.arrive $0xFFFF  }
0x62: {  	_ =	shalt  }

// kernel: kernel.9.cloned.1.call-start
scs
__scs_entry_jumppad:
0x0: {  	(pc) =	sbr.rel $0x88, $3  }
0x1: {  	(tag) =	ssettag $0x0;
	lr =	simm.s32 $0x1  }
0x2: {  	[smem:$0x3F9B] =	sst lr;
	_ =	strace $0xD0000000  }
0x3: {  	_ = 	snop  }
0x4: {  	_ = 	snop  }
0x5: {  	_ = 	snop  }
0x6: {  	_ = 	snop  }
0x7: {  	_ = 	snop  }
__scs_overlays_trampoline_lowered:
0x8: {  	[smem:$0x3FAA] =	sst s0  }
0x9: {  	[smem:$0x3FAB] =	sst s1  }
0xa: {  	[smem:$0x3FAC] =	sst s2  }
0xb: {  	[smem:$0x3FAD] =	sst s3  }
0xc: {  	[smem:$0x3FAE] =	sst s4  }
0xd: {  	[smem:$0x3FAF] =	sst s5  }
0xe: {  	[smem:$0x3FB0] =	sst s6  }
0xf: {  	[smem:$0x3FB1] =	sst s7  }
0x10: {  	[smem:$0x3FB2] =	sst s8  }
0x11: {  	[smem:$0x3FB3] =	sst s9;
	s0 =	simm.s32 @!p0 $0x0  }
0x12: {  	s1 =	sld [smem:$0x3F99];
	s0 =	simm.s32 @p0 $0x1  }
0x13: {  	[smem:$0x3FB4] =	sst s0;
	s0 =	simm.s32 @!p1 $0x0  }
0x14: {  	s2 =	sld [smem:$0x3F98];
	s0 =	simm.s32 @p1 $0x1  }
0x15: {  	[smem:$0x3FB5] =	sst s0;
	s0 =	simm.s32 @!p2 $0x0  }
0x16: {  	s3 =	sld [smem:$0x3FDB];
	s0 =	simm.s32 @p2 $0x1  }
0x17: {  	s4 =	simm.s32 $0x1BF5;
	[smem:$0x3FB7] =	sst s0  }
0x18: {  	s0 =	sld [smem:$0x3F9A];
	_ =	swait.ge [sflag:s4], $0x0  }
0x19: {  	s7 =	sld [smem:$0x3F9B]  }
0x1a: {  	s8 =	sadd.s32 $0xFFFFE003, lr  }
0x1b: {  	s9 =	sadd.s32 $0xFFFFFEF7, lr;
	s5 =	simm.s32 $0xFFFFFFFF;
	p2 =	slt.u32 s8, $0xFFFFF086  }
0x1c: {  	p1 =	slt.u32 s9, $0xF7A;
	s5 =	simm.s32 @!p2 $0x0  }
0x1d: {  	s5 =	simm.s32 @p1 $0x1;
	p0 =	seq.s32 s7, s2  }
0x1e: {  	s7 =	smul.u32 @!p0 $0xF7A, s2;
	p2 =	seq.s32 @!p0 s5, $0x0  }
0x1f: {  	s9 =	smul.u32 $0xF7A, s1;
	s8 =	simm.s32 @!p0 $0x1BF5;
	p2 =	por !p2, p0  }
0x20: {  	[sflag:s8] =	ssyncset.s32 @!p0 $0xFFFFF086;
	s6 =	sadd.s32 @!p0 s3, s7;
	s7 =	simm.s32 @!p0 $0x108  }
0x21: {  	s3 =	sadd.s32 s3, s9;
	s6 =	sadd.s32 @!p0 $0x88, s6;
	s7 =	simm.s32 @p2 $0x1082  }
0x22: {  	[simem:s7], [sflag:s8] =	dma.local @!p0 [hbm:s6], $0xF7A  }
0x23: {  	s9 =	sor.u32 $0xD0000000, s2;
	s6 =	simm.s32 $0x108;
	_ =	swait.ge @!p0 [sflag:s8], $0x0  }
0x24: {  	s3 =	sadd.s32 $0x88, s3;
	s6 =	simm.s32 @!p1 $0x1082;
	[sflag:s4] =	ssyncset.s32 $0xFFFFF086  }
0x25: {  	[simem:s6], [sflag:s4] =	dma.local [hbm:s3], $0xF7A  }
0x26: {  	[smem:$0x3F9B] =	sst s1;
	(tag) =	ssettag s2;
	_ =	strace s9  }
0x27: {  	s1 =	sld [smem:$0x3FAB]  }
0x28: {  	s2 =	sld [smem:$0x3FAC]  }
0x29: {  	s4 =	sld [smem:$0x3FAE]  }
0x2a: {  	p0 =	seq.s32 s5, $0x0;
	s5 =	sld [smem:$0x3FAF]  }
0x2b: {  	s6 =	sld [smem:$0x3FB0]  }
0x2c: {  	s7 =	sld [smem:$0x3FB1]  }
0x2d: {  	s3 =	simm.s32 $0x108;
	s8 =	sld [smem:$0x3FB2]  }
0x2e: {  	s3 =	simm.s32 @!p0 $0x1082;
	s9 =	sld [smem:$0x3FB3]  }
0x2f: {  	lr =	sadd.s32 s0, s3;
	s0 =	sld [smem:$0x3FAA]  }
0x30: {  	s3 =	sld [smem:$0x3FAD]  }
0x31: {  	[smem:$0x3FB6] =	sst s10  }
0x32: {  	s10 =	sld [smem:$0x3FB4];
	_ =	sdelay $0x3  }
0x33: {  	p0 =	seq.s32 s10, $0x1;
	s10 =	sld [smem:$0x3FB6];
	_ =	sdelay $0x3  }
0x34: {  	[smem:$0x3FB6] =	sst s10  }
0x35: {  	s10 =	sld [smem:$0x3FB5];
	_ =	sdelay $0x3  }
0x36: {  	p1 =	seq.s32 s10, $0x1;
	s10 =	sld [smem:$0x3FB6];
	_ =	sdelay $0x3  }
0x37: {  	[smem:$0x3FB6] =	sst s10  }
0x38: {  	s10 =	sld [smem:$0x3FB7]  }
0x39: {  	_ = 	snop;
	(pc) =	sbr.ind lr, $3  }
0x3a: {  	_ = 	snop  }
0x3b: {  	_ = 	snop  }
0x3c: {  	p2 =	seq.s32 s10, $0x1;
	s10 =	sld [smem:$0x3FB6]  }
0x3d: {  	_ =	shalt  }
0x3e: {  	_ =	shalt  }
0x3f: {  	_ =	shalt  }
0x40: {  	_ =	shalt  }
0x41: {  	_ =	shalt  }
0x42: {  	_ =	shalt  }
0x43: {  	_ =	shalt  }
0x44: {  	_ =	shalt  }
0x45: {  	_ =	shalt  }
0x46: {  	_ =	shalt  }
0x47: {  	_ =	shalt  }
0x48: {  	_ =	shalt  }
0x49: {  	_ =	shalt  }
0x4a: {  	_ =	shalt  }
0x4b: {  	_ =	shalt  }
0x4c: {  	_ =	shalt  }
0x4d: {  	_ =	shalt  }
0x4e: {  	_ =	shalt  }
0x4f: {  	_ =	shalt  }
0x50: {  	_ =	shalt  }
0x51: {  	_ =	shalt  }
0x52: {  	_ =	shalt  }
0x53: {  	_ =	shalt  }
0x54: {  	_ =	shalt  }
0x55: {  	_ =	shalt  }
0x56: {  	_ =	shalt  }
0x57: {  	_ =	shalt  }
0x58: {  	_ =	shalt  }
0x59: {  	_ =	shalt  }
0x5a: {  	_ =	shalt  }
0x5b: {  	_ =	shalt  }
0x5c: {  	_ =	shalt  }
0x5d: {  	_ =	shalt  }
0x5e: {  	_ =	shalt  }
0x5f: {  	_ =	shalt  }
0x60: {  	_ =	shalt  }
0x61: {  	_ =	shalt  }
0x62: {  	_ =	shalt  }
0x63: {  	_ =	shalt  }
0x64: {  	_ =	shalt  }
0x65: {  	_ =	shalt  }
0x66: {  	_ =	shalt  }
0x67: {  	_ =	shalt  }
0x68: {  	_ =	shalt  }
0x69: {  	_ =	shalt  }
0x6a: {  	_ =	shalt  }
0x6b: {  	_ =	shalt  }
0x6c: {  	_ =	shalt  }
0x6d: {  	_ =	shalt  }
0x6e: {  	_ =	shalt  }
0x6f: {  	_ =	shalt  }
0x70: {  	_ =	shalt  }
0x71: {  	_ =	shalt  }
0x72: {  	_ =	shalt  }
0x73: {  	_ =	shalt  }
0x74: {  	_ =	shalt  }
0x75: {  	_ =	shalt  }
0x76: {  	_ =	shalt  }
0x77: {  	_ =	shalt  }
0x78: {  	_ =	shalt  }
0x79: {  	_ =	shalt  }
0x7a: {  	_ =	shalt  }
0x7b: {  	_ =	shalt  }
0x7c: {  	_ =	shalt  }
0x7d: {  	_ =	shalt  }
0x7e: {  	_ =	shalt  }
0x7f: {  	_ =	shalt  }
0x80: {  	_ =	shalt  }
0x81: {  	_ =	shalt  }
0x82: {  	_ =	shalt  }
0x83: {  	_ =	shalt  }
0x84: {  	_ =	shalt  }
0x85: {  	_ =	shalt  }
0x86: {  	_ =	shalt  }
0x87: {  	_ =	shalt  }
.Lfunc_end0:
.L_simem_size_0:
called_computation_lowered:
.L_overlay_start_0:
0x88: {  	s2 =	sld [smem:$0x3FD9]  }
0x89: {  	s3 =	sld [smem:$0x3FFE];
	_ =	sdelay $0x1  }
0x8a: {  	s1 =	srdreg.scid  }
0x8b: {  	s0 =	sand.u32 $0x1, s1  }
0x8c: {  	s17 =	sshll.u32 s0, $0xA;
	s2 =	sadd.s32 s3, s2  }
0x8d: {  	s2 =	sadd.s32 s2, s17  }
0x8e: {  	[smem:$0x3FC2] =	sst s2  }
0x8f: {  	_ = 	snop  }
0x90: {  	s2 =	sld [smem:$0x3FD0];
	(tm) =	ssettm $0x1  }
0x91: {  	s18 =	sld [smem:$0x3FFB];
	_ =	sdelay $0x3  }
0x92: {  	_ =	strace s18  }
0x93: {  	s3 =	sld [smem:$0x3FFC];
	_ =	sdelay $0x3  }
0x94: {  	_ =	strace s3  }
0x95: {  	s3 =	sld [smem:$0x3FFD];
	_ =	sdelay $0x3  }
0x96: {  	_ =	strace s3  }
0x97: {  	_ =	strace $0x8FFFFFFF  }
0x98: {  	s19 =	sld [smem:$0x3FDB];
	_ =	sdelay $0x1  }
0x99: {  	s4 =	simm.s32 $_scs_section_size  }
0x9a: {  	s5 =	simm.s32 $_size__tile_overlayer_lowered;
	s6 =	simm.s32 $_tile_overlayer_lowered  }
0x9b: {  	s22 =	simm.s32 $0x1BFF;
	s21 =	sshll.u32 s6, $0x1;
	s3 =	sadd.s32 s4, s19  }
0x9c: {  	s7 =	simm.s32 $0x0;
	s20 =	sshll.u32 s5, $0x1;
	s5 =	sadd.s32 s21, s3  }
0x9d: {  	[timem:s7], [sflag:s22] =	dma.local [hbm:s5], s20  }
0x9e: {  	_ =	swait.ge [sflag:s22], s20  }
0x9f: {  	s4 =	ssub.s32 $0x0, s20;
	[sflag:s22] =	ssyncset.done $0x0  }
0xa0: {  	[sflag:s22] =	ssyncadd.s32 s4;
	_ =	sdelay $0x1  }
0xa1: {  	s23 =	simm.s32 $0x1B8B  }
0xa2: {  	_ =	swait.ge [sflag:s23], $0x1  }
0xa3: {  	[sflag:s23] =	ssyncset.done $0x0  }
0xa4: {  	s25 =	simm.s32 $0x1B8E;
	s24 =	sld [smem:$0x3FFE];
	[sflag:s23] =	ssyncadd.s32 $0xFFFFFFFF  }
0xa5: {  	s26 =	simm.s32 $execute0_lowered;
	[smem:$0x3FD2] =	sst s25  }
0xa6: {  	s5 =	sshll.u32 s26, $0x1;
	_ =	strace $0x80000046;
	[dreg:$0x1] =	wrdreg $0xFFFFFFFF  }
0xa7: {  	s28 =	simm.s32 $_size_execute0_lowered;
	s3 =	sadd.s32 s3, s5;
	[dreg:$0x0] =	wrdreg $0x0  }
0xa8: {  	s5 =	sshll.u32 s28, $0x1;
	[dreg:$0x2] =	wrdreg s3  }
0xa9: {  	[dreg:$0x3] =	wrdreg s5  }
0xaa: {  	[dreg:$0x4] =	wrdreg $0xC0  }
0xab: {  	_ =	task [dreg:s7], $0x5FFFF  }
0xac: {  	[dreg:$0x1] =	wrdreg $0xFFFFFFFF  }
0xad: {  	[dreg:$0x0] =	wrdreg $0x60  }
0xae: {  	[dreg:$0x2] =	wrdreg s2  }
0xaf: {  	[dreg:$0x3] =	wrdreg s24  }
0xb0: {  	[dreg:$0x4] =	wrdreg $0x50800  }
0xb1: {  	[dreg:$0x5] =	wrdreg $0x9  }
0xb2: {  	_ =	task.clear_ibuf [dreg:s7], $0x6FFFF;
	_ =	strace $0x90000046  }
0xb3: {  	s29 =	simm.s32 $0x9;
	_ =	strace $0x80000048  }
0xb4: {  	_ =	swait.ge [sflag:s29], $0x1  }
0xb5: {  	[sflag:s29] =	ssyncadd.s32 $0xFFFFFFFF  }
0xb6: {  	_ =	strace $0x90000048  }
0xb7: {  	_ =	sfence  }
0xb8: {  	s30 =	sld [smem:$0x0];
	_ =	sdelay $0x2  }
0xb9: {  	s31 =	sshll.u32 s1, $0xD;
	s1 =	sshrl.u32 s1, $0x2  }
0xba: {  	s3 =	sand.u32 $0x4000, s31;
	s1 =	sadd.s32 s1, s30  }
0xbb: {  	s0 =	sor.u32 s3, s0;
	s1 =	sshll.u32 s1, $0x11  }
0xbc: {  	s0 =	sor.u32 s1, s0  }
0xbd: {  	s0 =	sadd.s32 $0x8F2B, s0  }
0xbe: {  	[sflag:s0] =	ssyncadd.remote.s32 $0x1  }
0xbf: {  	_ =	sfence.sel $0xFFFF  }
0xc0: {  	[dreg:$0x0] =	wrdreg $0xFFFFFFFF;
	(pc) =	sbr.abs _section_cstart, $3  }
0xc1: {  	[dreg:$0x1] =	wrdreg $0xFFFFFFFF  }
0xc2: {  	_ =	task.clear_ibuf [dreg:s7], $0x2FFFF;
	_ =	strace $0x9FFFFFFF  }
0xc3: {  	(tm) =	ssettm $0x7FFFFFFF  }
tec
execute0_lowered:
.L_overlay_start_1:
0x0: {  	(tag) =	ssettag $0x1  }
0x1: {  	s5 =	rddreg [dreg:$0x0]  }
0x2: {  	s6 =	rddreg [dreg:$0x1]  }
0x3: {  	s1 =	srdreg.scid;
	s0 =	stileid.u32  }
0x4: {  	s2 =	rddreg [dreg:$0x2];
	s3 =	simm.s32 $0x0;
	s11 =	simm.s32 $0x80  }
0x5: {  	s12 =	simm.s32 $0x5000;
	s13 =	simm.s32 $0x0;
	s7 =	smul.u32 $0x280, s0  }
0x6: {  	s4 =	sand.u32 $0x1, s1;
	s1 =	rddreg [dreg:$0x3];
	s10 =	smul.u32 $0xA00, s0  }
0x7: {  	[smem:$0x7FF] =	sst s3;
	s31 =	sshll.u32 s0, $0x6;
	s8 =	smul.u32 $0x2800, s4  }
0x8: {  	_ =	strace $0x80000047;
	s9 =	ssub.s32 $0x2, s4;
	s4 =	sadd.s32 $0xB600, s6  }
0x9: {  	s29 =	sshrl.u32 s9, $0x1;
	s30 =	sadd.s32 s7, s2;
	s8 =	sadd.s32 s7, s8  }
0xa: {  	s5 =	sadd.s32 s5, s10;
	s10 =	sshrl.u32 s30, $0x3;
	s8 =	sshrl.u32 s8, $0x3  }
0xb: {  	s6 =	sadd.s32 s8, s6;
	s8 =	ssub.s32 s9, s29;
	s9 =	sor.u32 $0x1C01, s31  }
0xc: {  	v0 =	vimm.f32 $1.000000000e+00;
	s6 =	sadd.s32 $0xB800, s6;
	s7 =	smax.u32 s8, $0x1;
	s8 =	simm.s32 $0x1  }
.LBB2_1:
0xd: {  	[tilespmem:s3], [sflag:$0x1] =	stream.linear.gather [hbm4b:s5+s3], $0x4E80, $0x38;
	[tilespmem:$0x5300] =	vst v63  }
0xe: {  	_ =	swait.ge [sflag:s8], $0x4E80  }
0xf: {  	[sflag:s8] =	ssyncset.done $0x0  }
0x10: {  	[sflag:s8] =	ssyncadd.s32 $0xFFFFB180  }
0x11: {  	[tilespmem:$0x5000] =	vst v0  }
0x12: {  	[tilespmem:$0x5010] =	vst v0  }
0x13: {  	[tilespmem:$0x5020] =	vst v0  }
0x14: {  	[tilespmem:$0x5030] =	vst v0  }
0x15: {  	[tilespmem:$0x5040] =	vst v0  }
0x16: {  	[tilespmem:$0x5050] =	vst v0  }
0x17: {  	[tilespmem:$0x5060] =	vst v0  }
0x18: {  	[tilespmem:$0x5070] =	vst v0  }
0x19: {  	[spmem:s10], [sflag:s9] =	dma.local [hbm:s4], $0x50  }
0x1a: {  	_ =	swait.ge [sflag:s8], $0x50  }
0x1b: {  	[sflag:s8] =	ssyncset.done $0x0  }
0x1c: {  	[sflag:s8] =	ssyncadd.s32 $0xFFFFFFB0  }
0x1d: {  	s14 =	simm.s32 $0x0;
	[bflag:$0x0] =	sbarrier.arrive $0xFFFF  }
0x1e: {  	[spmem:s2] =	stream.indirect.scatter.add.f32 [tilespmem:s12], [sflag:$0x1], $0x1, s14, s11, $0xb8;
	[tilespmem:$0x5300] =	vst v63  }
0x1f: {  	_ =	swait.ge [sflag:s8], $0x80  }
0x20: {  	s14 =	simm.s32 $0x200;
	[sflag:s8] =	ssyncset.done $0x0  }
.LBB2_2:
0x21: {  	s15 =	sshra.s32 s14, $0x2;
	[sflag:s8] =	ssyncadd.s32 $0xFFFFFF80;
	p0 =	sne.s32 s14, $0x13800  }
0x22: {  	[spmem:s2] =	stream.indirect.scatter.add.f32 [tilespmem:s12], [sflag:$0x1], $0x1, s15, s11, $0xb8;
	[tilespmem:$0x5300] =	vst v63  }
.Ltmp0:
0x23: {  	_ = 	snop;
	(pc) =	sbr.rel @p0 .LBB2_2-.Ltmp0, $4  }
0x24: {  	_ = 	snop  }
0x25: {  	s14 =	sadd.s32 $0x200, s14  }
0x26: {  	_ =	swait.ge [sflag:s8], $0x80  }
0x27: {  	[sflag:s8] =	ssyncset.done $0x0  }
0x28: {  	s13 =	sadd.s32 $0x1, s13  }
0x29: {  	[sflag:s8] =	ssyncadd.s32 $0xFFFFFF80;
	p0 =	sne.s32 s13, s7  }
.Ltmp1:
0x2a: {  	[bflag:$0x0] =	sbarrier.arrive $0xFFFF;
	(pc) =	sbr.rel @p0 .LBB2_1-.Ltmp1, $4  }
0x2b: {  	[hbm:s6], [sflag:s9] =	dma.local [spmem:s10], $0x50  }
0x2c: {  	_ =	swait.ge [sflag:s8], $0x50  }
0x2d: {  	[sflag:s8] =	ssyncset.done $0x0  }
0x2e: {  	[sflag:s8] =	ssyncadd.s32 $0xFFFFFFB0  }
0x2f: {  	_ =	sfence.sel $0x180000  }
0x30: {  	[bflag:$0x0] =	sbarrier.arrive $0xFFFF  }
0x31: {  	p0 =	sne.s32 s0, $0x0;
	_ =	strace $0x90000047  }
0x32: {  	s0 =	sadd.s32 @!p0 $0x100000, s1;
	[bflag:$0x2] =	sbarrier.arrive $0xFFFF  }
0x33: {  	[sflag:s0] =	ssyncadd.tile.s32 @!p0 $0x1;
	_ =	shalt  }
.Lfunc_end2:
_tile_overlayer_lowered:
.L_overlay_start_2:
0x34: {  	(tag) =	ssettag $0x2  }
0x35: {  	s0 =	rddreg [dreg:$0x0];
	s2 =	stileid.u32  }
0x36: {  	s1 =	rddreg [dreg:$0x1];
	p0 =	sne.s32 s2, $0x0  }
0x37: {  	s3 =	rddreg [dreg:$0x2];
	[bflag:$0x3] =	sbarrier.arrive $0xFFFF;
	s2 =	simm.s32 @!p0 $0x1C01  }
0x38: {  	[timem:s3], [sflag:s2] =	dma.local @!p0 [hbm:s0], s1  }
0x39: {  	s0 =	simm.s32 @!p0 $0x1  }
0x3a: {  	_ =	swait.ge @!p0 [sflag:s0], s1  }
0x3b: {  	s1 =	ssub.s32 @!p0 $0x0, s1;
	[sflag:s0] =	ssyncset.done @!p0 $0x0  }
0x3c: {  	[sflag:s0] =	ssyncadd.s32 @!p0 s1  }
0x3d: {  	[bflag:$0x3] =	sbarrier.arrive $0xFFFF  }
0x3e: {  	_ =	shalt  }

</sc_bundles>
